<compile_context>
chip_gen: v7x
topology: tpu7x:2x2x1
jax: 0.10.2.dev20260603
libtpu: 0.0.44.dev20260713+nightly
codegen_flags: <defaults>
</compile_context>

<pallas_src>
import functools

import jax
import jax.numpy as jnp
from jax import lax
from jax.experimental import pallas as pl
from jax.experimental.pallas import tpu as pltpu
from jax.experimental.pallas import tpu_sc as plsc

B, T, D, H = 16, 4096, 128, 512
_NCHUNK = T // 16


def _mlp_kernel(x_ref, w1_ref, b1_ref, w2_ref, b2_ref, w3_ref, b3_ref, out_ref):
    wc = lax.dot_general(w3_ref[...], w2_ref[...], (((1,), (0,)), ((), ())),
                         preferred_element_type=jnp.float32)
    c = jnp.sum(w3_ref[...] * b2_ref[...], axis=1, keepdims=True) + b3_ref[...]
    x = x_ref[0]
    h = lax.dot_general(x, w1_ref[...], (((1,), (1,)), ((), ())),
                        preferred_element_type=jnp.float32,
                        precision=lax.Precision.DEFAULT)
    h = jnp.maximum(h + b1_ref[...], 0.0)
    z = lax.dot_general(wc, h, (((1,), (1,)), ((), ())),
                        preferred_element_type=jnp.float32,
                        precision=lax.Precision.DEFAULT)
    out_ref[...] = jax.nn.sigmoid(z + c)[0]


_UNR = 16


def _sc_topk_kernel(logits_hbm, lens_hbm, out_hbm, row_v, lens_v, res_v,
                    buf_f, buf_i, sem):
    cid = lax.axis_index("c")
    sid = lax.axis_index("s")
    w = sid * 2 + cid

    @pl.when(w < B)
    def _():
        pltpu.sync_copy(logits_hbm.at[pl.ds(w * T, T)], row_v)
        pltpu.sync_copy(lens_hbm, lens_v)
        lane = lax.iota(jnp.int32, 16)
        one = jnp.ones((16,), jnp.int32)
        zero = jnp.zeros((16,), jnp.int32)

        def rotsum_f(acc):
            for sh in (1, 2, 4, 8):
                buf_f[pl.ds(0, 16)] = acc
                buf_f[pl.ds(16, 16)] = acc
                acc = acc + buf_f[pl.ds(sh, 16)]
            return acc

        def rotsum_i(acc):
            for sh in (1, 2, 4, 8):
                buf_i[pl.ds(0, 16)] = acc
                buf_i[pl.ds(16, 16)] = acc
                acc = acc + buf_i[pl.ds(sh, 16)]
            return acc

        Lv = rotsum_i(jnp.where(lane == w, lens_v[...], 0))
        kv = (Lv >> 4) + 1

        def mask_body(jj, _):
            base = jj * (16 * _UNR)
            for u in range(_UNR):
                pos = lane + (base + u * 16)
                v = row_v[pl.ds(base + u * 16, 16)]
                row_v[pl.ds(base + u * 16, 16)] = jnp.where(pos < Lv, v, -1.0)
            return 0

        lax.fori_loop(0, _NCHUNK // _UNR, mask_body, 0)

        def bis(_, carry):
            lo, hi = carry
            mid = (lo + hi) >> 1
            t = lax.bitcast_convert_type(mid, jnp.float32)

            def cnt_body(jj, cnts):
                base = jj * (16 * _UNR)
                cnts = list(cnts)
                for u in range(_UNR):
                    cnts[u % 4] = cnts[u % 4] + jnp.where(
                        row_v[pl.ds(base + u * 16, 16)] >= t, one, zero)
                return tuple(cnts)

            c0, c1, c2, c3 = lax.fori_loop(0, _NCHUNK // _UNR, cnt_body,
                                           (zero, zero, zero, zero))
            cnt = (c0 + c1) + (c2 + c3)
            ge = rotsum_i(cnt) >= kv
            return jnp.where(ge, mid, lo), jnp.where(ge, hi, mid)

        lo0 = jnp.zeros((16,), jnp.int32)
        hi0 = jnp.full((16,), 0x3F800000, jnp.int32)
        lo, _ = lax.fori_loop(0, 31, bis, (lo0, hi0))
        xk = lax.bitcast_convert_type(lo, jnp.float32)

        def fin_body(jj, carry):
            cacc, sacc = carry
            base = jj * (16 * _UNR)
            for u in range(_UNR):
                v = row_v[pl.ds(base + u * 16, 16)]
                gt = v > xk
                cacc = cacc + jnp.where(gt, one, zero)
                sacc = sacc + jnp.where(gt, v, 0.0)
            return cacc, sacc

        cacc, sacc = lax.fori_loop(0, _NCHUNK // _UNR, fin_body,
                                   (zero, jnp.zeros((16,), jnp.float32)))
        cnt_gt = rotsum_i(cacc)
        sum_gt = rotsum_f(sacc)
        kf = kv.astype(jnp.float32)
        res_v[...] = (sum_gt + (kv - cnt_gt).astype(jnp.float32) * xk) / kf
        pltpu.sync_copy(res_v, out_hbm.at[w])


def _sc_topk(logits, lens):
    mesh = plsc.VectorSubcoreMesh(core_axis_name="c", subcore_axis_name="s")
    fn = functools.partial(
        pl.kernel,
        mesh=mesh,
        out_type=jax.ShapeDtypeStruct((B, 16), jnp.float32),
        scratch_types=[
            pltpu.VMEM((T,), jnp.float32),
            pltpu.VMEM((16,), jnp.int32),
            pltpu.VMEM((16,), jnp.float32),
            pltpu.VMEM((32,), jnp.float32),
            pltpu.VMEM((32,), jnp.int32),
            pltpu.SemaphoreType.DMA,
        ],
    )(_sc_topk_kernel)
    return fn(logits, lens)


def kernel(avf_out, seq_len, W1, b1, W2, b2, W3, b3):
    b1r = b1.reshape(1, H)
    b2r = b2.reshape(1, 32)
    b3r = b3.reshape(1, 1)
    lens = seq_len.astype(jnp.int32).reshape(B)

    logits3 = pl.pallas_call(
        _mlp_kernel,
        grid=(B,),
        in_specs=[
            pl.BlockSpec((1, T, D), lambda i: (i, 0, 0)),
            pl.BlockSpec((H, D), lambda i: (0, 0)),
            pl.BlockSpec((1, H), lambda i: (0, 0)),
            pl.BlockSpec((32, H), lambda i: (0, 0)),
            pl.BlockSpec((1, 32), lambda i: (0, 0)),
            pl.BlockSpec((1, 32), lambda i: (0, 0)),
            pl.BlockSpec((1, 1), lambda i: (0, 0)),
        ],
        out_specs=pl.BlockSpec((T,), lambda i: (i,)),
        out_shape=jax.ShapeDtypeStruct((B * T,), jnp.float32),
    )(avf_out, W1, b1r, W2, b2r, W3, b3r)
    logits = logits3

    res = _sc_topk(logits, lens)
    return res[:, 0]

# --- scband reference (transcript-rebuilt; emitter-appended) ---
"""Pipeline reference for scband-mil-75720273429146 (READ-ONLY COPY).

The authoritative reference and input builder live on the scoring server;
editing this copy changes nothing except your own understanding.
"""

import jax, jax.numpy as jnp
import numpy as np

B, T, D = 16, 4096, 128

def setup_inputs(seed: int = 0) -> dict:
    key = jax.random.key(seed)
    ks = jax.random.split(key, 8)
    avf_out = jax.random.normal(ks[0], (B, T, D), dtype=jnp.float32)
    # seq lens in [16, T] so that k = seq_len//16+1 is always valid
    seq_len = jax.random.randint(ks[1], (B,), 16, T + 1).astype(jnp.int64)
    W1 = jax.random.normal(ks[2], (512, D), dtype=jnp.float32) * (1.0 / np.sqrt(D))
    b1 = jnp.zeros((512,), dtype=jnp.float32)
    W2 = jax.random.normal(ks[3], (32, 512), dtype=jnp.float32) * (1.0 / np.sqrt(512))
    b2 = jnp.zeros((32,), dtype=jnp.float32)
    W3 = jax.random.normal(ks[4], (1, 32), dtype=jnp.float32) * (1.0 / np.sqrt(32))
    b3 = jnp.zeros((1,), dtype=jnp.float32)
    return {"avf_out": avf_out, "seq_len": seq_len, "W1": W1, "b1": b1, "W2": W2, "b2": b2, "W3": W3, "b3": b3}

def reference(avf_out, seq_len, W1, b1, W2, b2, W3, b3):
    # regressor (eval mode: dropout = identity)
    h = jnp.maximum(avf_out @ W1.T + b1, 0.0)
    h = h @ W2.T + b2
    h = h @ W3.T + b3
    logits = jax.nn.sigmoid(h)[..., 0]  # [B, T]
    Bn, Tn = logits.shape
    pos = jnp.arange(Tn)[None, :]
    mask = pos < seq_len[:, None]
    masked = jnp.where(mask, logits, -jnp.inf)
    sorted_desc = -jnp.sort(-masked, axis=1)
    sorted_safe = jnp.where(jnp.isfinite(sorted_desc), sorted_desc, 0.0)
    csum = jnp.cumsum(sorted_safe, axis=1)
    k = (seq_len // 16 + 1).astype(jnp.int32)  # [B]
    topk_sum = jnp.take_along_axis(csum, (k - 1)[:, None], axis=1)[:, 0]
    instance_logits = topk_sum / k.astype(jnp.float32)
    return instance_logits  # [B]

if __name__ == "__main__":
    import jax
    _d = setup_inputs()
    print(jax.jit(kernel)(*tuple(_d.values())))

</pallas_src>

<mosaic_0001>
#map = affine_map<(d0, d1) -> (0)>
#map1 = affine_map<(d0, d1) -> (0, 0)>
module attributes {stable_mosaic.version = 14 : i64} {
  func.func @_sc_topk_kernel(%arg0: i32, %arg1: i32, %arg2: memref<65536xf32, #tpu.memory_space<hbm>>, %arg3: memref<16xi32, #tpu.memory_space<hbm>>, %arg4: memref<16x16xf32, #tpu.memory_space<hbm>>, %arg5: memref<4096xf32, #tpu.memory_space<vmem>>, %arg6: memref<16xi32, #tpu.memory_space<vmem>>, %arg7: memref<16xf32, #tpu.memory_space<vmem>>, %arg8: memref<32xf32, #tpu.memory_space<vmem>>, %arg9: memref<32xi32, #tpu.memory_space<vmem>>, %arg10: memref<!tpu.dma_semaphore, #tpu.memory_space<semaphore_mem>>) attributes {dimension_semantics = [#tpu.dimension_semantics<core_parallel>, #tpu.dimension_semantics<subcore_parallel>], iteration_bounds = array<i64: 2, 16>, scalar_prefetch = 0 : i64, scratch_operands = 6 : i64, tpu.core_type = #tpu.core_type<sc_vector_subcore>, window_params = [{transform_indices = #map}, {transform_indices = #map}, {transform_indices = #map1}]} {
    %mul3A = arith.constant 2 : i32
    %mul3A_0 = arith.muli %arg1, %mul3A : i32
    %add3A = arith.addi %mul3A_0, %arg0 : i32
    %lt3A = arith.constant 16 : i32
    %lt3A_1 = arith.cmpi slt, %add3A, %lt3A : i32
    %convert_element_type3A = arith.extui %lt3A_1 : i1 to i32
    %cond3A = arith.constant 0 : i32
    %cond3A_2 = arith.cmpi ne, %convert_element_type3A, %cond3A : i32
    scf.if %cond3A_2 {
      %mul3A_3 = arith.constant 4096 : i32
      %mul3A_4 = arith.muli %add3A, %mul3A_3 : i32
      "tpu.region"() ({
        %run_scoped3A = tpu.sem_alloc : memref<!tpu.dma_semaphore, #tpu.memory_space<semaphore_mem>>
        %dma_start3A = tpu.memref_slice %arg2[%mul3A_4] : memref<65536xf32, #tpu.memory_space<hbm>> -> memref<4096xf32, #tpu.memory_space<hbm>>
        %dma_start3A_192 = tpu.memref_slice %arg2[%mul3A_4] : memref<65536xf32, #tpu.memory_space<hbm>> -> memref<4096xf32, #tpu.memory_space<hbm>>
        tpu.enqueue_dma source(%dma_start3A_192 : memref<4096xf32, #tpu.memory_space<hbm>>) target(%arg5 : memref<4096xf32, #tpu.memory_space<vmem>>) target_semaphore(%run_scoped3A : memref<!tpu.dma_semaphore, #tpu.memory_space<semaphore_mem>>)
        %dma_wait3A = tpu.memref_slice %arg2[%mul3A_4] : memref<65536xf32, #tpu.memory_space<hbm>> -> memref<4096xf32, #tpu.memory_space<hbm>>
        %dma_wait3A_193 = tpu.memref_slice %arg2[%mul3A_4] : memref<65536xf32, #tpu.memory_space<hbm>> -> memref<4096xf32, #tpu.memory_space<hbm>>
        tpu.wait_dma2 semaphore(%run_scoped3A : memref<!tpu.dma_semaphore, #tpu.memory_space<semaphore_mem>>) src(%dma_wait3A_193 : memref<4096xf32, #tpu.memory_space<hbm>>) dst(%arg5 : memref<4096xf32, #tpu.memory_space<vmem>>)
        tpu.yield
      }) : () -> ()
      "tpu.region"() ({
        %run_scoped3A = tpu.sem_alloc : memref<!tpu.dma_semaphore, #tpu.memory_space<semaphore_mem>>
        tpu.enqueue_dma source(%arg3 : memref<16xi32, #tpu.memory_space<hbm>>) target(%arg6 : memref<16xi32, #tpu.memory_space<vmem>>) target_semaphore(%run_scoped3A : memref<!tpu.dma_semaphore, #tpu.memory_space<semaphore_mem>>)
        tpu.wait_dma2 semaphore(%run_scoped3A : memref<!tpu.dma_semaphore, #tpu.memory_space<semaphore_mem>>) src(%arg3 : memref<16xi32, #tpu.memory_space<hbm>>) dst(%arg6 : memref<16xi32, #tpu.memory_space<vmem>>)
        tpu.yield
      }) : () -> ()
      %iota3A = tpu.iota {dimensions = array<i32: 0>} : vector<16xi32>
      %broadcast_in_dim3A = arith.constant 1 : i32
      %broadcast_in_dim3A_5 = vector.broadcast %broadcast_in_dim3A : i32 to vector<16xi32>
      %broadcast_in_dim3A_6 = arith.constant 0 : i32
      %broadcast_in_dim3A_7 = vector.broadcast %broadcast_in_dim3A_6 : i32 to vector<16xi32>
      %eq3A = vector.broadcast %add3A : i32 to vector<16xi32>
      %eq3A_8 = arith.cmpi eq, %iota3A, %eq3A : vector<16xi32>
      %get3A = arith.constant 0 : index
      %get3A_9 = tpu.vector_load %arg6[%get3A] {strides = array<i32>} : memref<16xi32, #tpu.memory_space<vmem>>, vector<16xi32>,
      %get3A_10 = vector.shape_cast %get3A_9 : vector<16xi32> to vector<16xi32>
      %jit3A = arith.constant 0 : i32
      %broadcast_in_dim3A_11 = vector.broadcast %jit3A : i32 to vector<16xi32>
      %select_n3A = arith.select %eq3A_8, %get3A_10, %broadcast_in_dim3A_11 : vector<16xi1>, vector<16xi32>
      %swap3A = arith.constant 0 : index
      %swap3A_12 = tpu.vector_load %arg9[%swap3A] {strides = array<i32>} : memref<32xi32, #tpu.memory_space<vmem>>, vector<16xi32>,
      %swap3A_13 = vector.shape_cast %swap3A_12 : vector<16xi32> to vector<16xi32>
      %swap3A_14 = vector.shape_cast %select_n3A : vector<16xi32> to vector<16xi32>
      tpu.vector_store %arg9[%swap3A], %swap3A_14 {strides = array<i32>} : memref<32xi32, #tpu.memory_space<vmem>>, vector<16xi32>,
      %swap3A_15 = arith.constant 16 : index
      %swap3A_16 = tpu.vector_load %arg9[%swap3A_15] {strides = array<i32>} : memref<32xi32, #tpu.memory_space<vmem>>, vector<16xi32>,
      %swap3A_17 = vector.shape_cast %swap3A_16 : vector<16xi32> to vector<16xi32>
      %swap3A_18 = vector.shape_cast %select_n3A : vector<16xi32> to vector<16xi32>
      tpu.vector_store %arg9[%swap3A_15], %swap3A_18 {strides = array<i32>} : memref<32xi32, #tpu.memory_space<vmem>>, vector<16xi32>,
      %get3A_19 = arith.constant 1 : index
      %get3A_20 = tpu.vector_load %arg9[%get3A_19] {strides = array<i32>} : memref<32xi32, #tpu.memory_space<vmem>>, vector<16xi32>,
      %get3A_21 = vector.shape_cast %get3A_20 : vector<16xi32> to vector<16xi32>
      %add3A_22 = arith.addi %select_n3A, %get3A_21 : vector<16xi32>
      %swap3A_23 = arith.constant 0 : index
      %swap3A_24 = tpu.vector_load %arg9[%swap3A_23] {strides = array<i32>} : memref<32xi32, #tpu.memory_space<vmem>>, vector<16xi32>,
      %swap3A_25 = vector.shape_cast %swap3A_24 : vector<16xi32> to vector<16xi32>
      %swap3A_26 = vector.shape_cast %add3A_22 : vector<16xi32> to vector<16xi32>
      tpu.vector_store %arg9[%swap3A_23], %swap3A_26 {strides = array<i32>} : memref<32xi32, #tpu.memory_space<vmem>>, vector<16xi32>,
      %swap3A_27 = arith.constant 16 : index
      %swap3A_28 = tpu.vector_load %arg9[%swap3A_27] {strides = array<i32>} : memref<32xi32, #tpu.memory_space<vmem>>, vector<16xi32>,
      %swap3A_29 = vector.shape_cast %swap3A_28 : vector<16xi32> to vector<16xi32>
      %swap3A_30 = vector.shape_cast %add3A_22 : vector<16xi32> to vector<16xi32>
      tpu.vector_store %arg9[%swap3A_27], %swap3A_30 {strides = array<i32>} : memref<32xi32, #tpu.memory_space<vmem>>, vector<16xi32>,
      %get3A_31 = arith.constant 2 : index
      %get3A_32 = tpu.vector_load %arg9[%get3A_31] {strides = array<i32>} : memref<32xi32, #tpu.memory_space<vmem>>, vector<16xi32>,
      %get3A_33 = vector.shape_cast %get3A_32 : vector<16xi32> to vector<16xi32>
      %add3A_34 = arith.addi %add3A_22, %get3A_33 : vector<16xi32>
      %swap3A_35 = arith.constant 0 : index
      %swap3A_36 = tpu.vector_load %arg9[%swap3A_35] {strides = array<i32>} : memref<32xi32, #tpu.memory_space<vmem>>, vector<16xi32>,
      %swap3A_37 = vector.shape_cast %swap3A_36 : vector<16xi32> to vector<16xi32>
      %swap3A_38 = vector.shape_cast %add3A_34 : vector<16xi32> to vector<16xi32>
      tpu.vector_store %arg9[%swap3A_35], %swap3A_38 {strides = array<i32>} : memref<32xi32, #tpu.memory_space<vmem>>, vector<16xi32>,
      %swap3A_39 = arith.constant 16 : index
      %swap3A_40 = tpu.vector_load %arg9[%swap3A_39] {strides = array<i32>} : memref<32xi32, #tpu.memory_space<vmem>>, vector<16xi32>,
      %swap3A_41 = vector.shape_cast %swap3A_40 : vector<16xi32> to vector<16xi32>
      %swap3A_42 = vector.shape_cast %add3A_34 : vector<16xi32> to vector<16xi32>
      tpu.vector_store %arg9[%swap3A_39], %swap3A_42 {strides = array<i32>} : memref<32xi32, #tpu.memory_space<vmem>>, vector<16xi32>,
      %get3A_43 = arith.constant 4 : index
      %get3A_44 = tpu.vector_load %arg9[%get3A_43] {strides = array<i32>} : memref<32xi32, #tpu.memory_space<vmem>>, vector<16xi32>,
      %get3A_45 = vector.shape_cast %get3A_44 : vector<16xi32> to vector<16xi32>
      %add3A_46 = arith.addi %add3A_34, %get3A_45 : vector<16xi32>
      %swap3A_47 = arith.constant 0 : index
      %swap3A_48 = tpu.vector_load %arg9[%swap3A_47] {strides = array<i32>} : memref<32xi32, #tpu.memory_space<vmem>>, vector<16xi32>,
      %swap3A_49 = vector.shape_cast %swap3A_48 : vector<16xi32> to vector<16xi32>
      %swap3A_50 = vector.shape_cast %add3A_46 : vector<16xi32> to vector<16xi32>
      tpu.vector_store %arg9[%swap3A_47], %swap3A_50 {strides = array<i32>} : memref<32xi32, #tpu.memory_space<vmem>>, vector<16xi32>,
      %swap3A_51 = arith.constant 16 : index
      %swap3A_52 = tpu.vector_load %arg9[%swap3A_51] {strides = array<i32>} : memref<32xi32, #tpu.memory_space<vmem>>, vector<16xi32>,
      %swap3A_53 = vector.shape_cast %swap3A_52 : vector<16xi32> to vector<16xi32>
      %swap3A_54 = vector.shape_cast %add3A_46 : vector<16xi32> to vector<16xi32>
      tpu.vector_store %arg9[%swap3A_51], %swap3A_54 {strides = array<i32>} : memref<32xi32, #tpu.memory_space<vmem>>, vector<16xi32>,
      %get3A_55 = arith.constant 8 : index
      %get3A_56 = tpu.vector_load %arg9[%get3A_55] {strides = array<i32>} : memref<32xi32, #tpu.memory_space<vmem>>, vector<16xi32>,
      %get3A_57 = vector.shape_cast %get3A_56 : vector<16xi32> to vector<16xi32>
      %add3A_58 = arith.addi %add3A_46, %get3A_57 : vector<16xi32>
      %shift_right_arithmetic3A = arith.constant 4 : i32
      %shift_right_arithmetic3A_59 = vector.broadcast %shift_right_arithmetic3A : i32 to vector<16xi32>
      %shift_right_arithmetic3A_60 = arith.shrsi %add3A_58, %shift_right_arithmetic3A_59 : vector<16xi32>
      %add3A_61 = arith.constant 1 : i32
      %add3A_62 = vector.broadcast %add3A_61 : i32 to vector<16xi32>
      %add3A_63 = arith.addi %shift_right_arithmetic3A_60, %add3A_62 : vector<16xi32>
      %scan3A = arith.constant 0 : i32
      %scan3A_64 = arith.constant 0 : i32
      %scan3A_65 = arith.constant 16 : i32
      %scan3A_66 = arith.addi %scan3A_64, %scan3A_65 : i32
      %scan3A_67 = arith.constant 1 : i32
      %scan3A_68 = scf.for %scan3A_192 = %scan3A_64 to %scan3A_66 step %scan3A_67 iter_args(%scan3A_193 = %scan3A) -> (i32)  : i32 {
        %mul3A_194 = arith.constant 256 : i32
        %mul3A_195 = arith.muli %scan3A_192, %mul3A_194 : i32
        %add3A_196 = arith.constant 0 : i32
        %add3A_197 = arith.addi %mul3A_195, %add3A_196 : i32
        %add3A_198 = vector.broadcast %add3A_197 : i32 to vector<16xi32>
        %add3A_199 = arith.addi %iota3A, %add3A_198 : vector<16xi32>
        %add3A_200 = arith.constant 0 : i32
        %add3A_201 = arith.addi %mul3A_195, %add3A_200 : i32
        %get3A_202 = arith.index_cast %add3A_201 : i32 to index
        %get3A_203 = tpu.vector_load %arg5[%get3A_202] {strides = array<i32>} : memref<4096xf32, #tpu.memory_space<vmem>>, vector<16xf32>,
        %get3A_204 = vector.shape_cast %get3A_203 : vector<16xf32> to vector<16xf32>
        %lt3A_205 = arith.cmpi slt, %add3A_199, %add3A_58 : vector<16xi32>
        %jit3A_206 = arith.constant -1.000000e+00 : f32
        %broadcast_in_dim3A_207 = vector.broadcast %jit3A_206 : f32 to vector<16xf32>
        %select_n3A_208 = arith.select %lt3A_205, %get3A_204, %broadcast_in_dim3A_207 : vector<16xi1>, vector<16xf32>
        %add3A_209 = arith.constant 0 : i32
        %add3A_210 = arith.addi %mul3A_195, %add3A_209 : i32
        %swap3A_211 = arith.index_cast %add3A_210 : i32 to index
        %swap3A_212 = tpu.vector_load %arg5[%swap3A_211] {strides = array<i32>} : memref<4096xf32, #tpu.memory_space<vmem>>, vector<16xf32>,
        %swap3A_213 = vector.shape_cast %swap3A_212 : vector<16xf32> to vector<16xf32>
        %swap3A_214 = vector.shape_cast %select_n3A_208 : vector<16xf32> to vector<16xf32>
        tpu.vector_store %arg5[%swap3A_211], %swap3A_214 {strides = array<i32>} : memref<4096xf32, #tpu.memory_space<vmem>>, vector<16xf32>,
        %add3A_215 = arith.constant 16 : i32
        %add3A_216 = arith.addi %mul3A_195, %add3A_215 : i32
        %add3A_217 = vector.broadcast %add3A_216 : i32 to vector<16xi32>
        %add3A_218 = arith.addi %iota3A, %add3A_217 : vector<16xi32>
        %add3A_219 = arith.constant 16 : i32
        %add3A_220 = arith.addi %mul3A_195, %add3A_219 : i32
        %get3A_221 = arith.index_cast %add3A_220 : i32 to index
        %get3A_222 = tpu.vector_load %arg5[%get3A_221] {strides = array<i32>} : memref<4096xf32, #tpu.memory_space<vmem>>, vector<16xf32>,
        %get3A_223 = vector.shape_cast %get3A_222 : vector<16xf32> to vector<16xf32>
        %lt3A_224 = arith.cmpi slt, %add3A_218, %add3A_58 : vector<16xi32>
        %jit3A_225 = arith.constant -1.000000e+00 : f32
        %broadcast_in_dim3A_226 = vector.broadcast %jit3A_225 : f32 to vector<16xf32>
        %select_n3A_227 = arith.select %lt3A_224, %get3A_223, %broadcast_in_dim3A_226 : vector<16xi1>, vector<16xf32>
        %add3A_228 = arith.constant 16 : i32
        %add3A_229 = arith.addi %mul3A_195, %add3A_228 : i32
        %swap3A_230 = arith.index_cast %add3A_229 : i32 to index
        %swap3A_231 = tpu.vector_load %arg5[%swap3A_230] {strides = array<i32>} : memref<4096xf32, #tpu.memory_space<vmem>>, vector<16xf32>,
        %swap3A_232 = vector.shape_cast %swap3A_231 : vector<16xf32> to vector<16xf32>
        %swap3A_233 = vector.shape_cast %select_n3A_227 : vector<16xf32> to vector<16xf32>
        tpu.vector_store %arg5[%swap3A_230], %swap3A_233 {strides = array<i32>} : memref<4096xf32, #tpu.memory_space<vmem>>, vector<16xf32>,
        %add3A_234 = arith.constant 32 : i32
        %add3A_235 = arith.addi %mul3A_195, %add3A_234 : i32
        %add3A_236 = vector.broadcast %add3A_235 : i32 to vector<16xi32>
        %add3A_237 = arith.addi %iota3A, %add3A_236 : vector<16xi32>
        %add3A_238 = arith.constant 32 : i32
        %add3A_239 = arith.addi %mul3A_195, %add3A_238 : i32
        %get3A_240 = arith.index_cast %add3A_239 : i32 to index
        %get3A_241 = tpu.vector_load %arg5[%get3A_240] {strides = array<i32>} : memref<4096xf32, #tpu.memory_space<vmem>>, vector<16xf32>,
        %get3A_242 = vector.shape_cast %get3A_241 : vector<16xf32> to vector<16xf32>
        %lt3A_243 = arith.cmpi slt, %add3A_237, %add3A_58 : vector<16xi32>
        %jit3A_244 = arith.constant -1.000000e+00 : f32
        %broadcast_in_dim3A_245 = vector.broadcast %jit3A_244 : f32 to vector<16xf32>
        %select_n3A_246 = arith.select %lt3A_243, %get3A_242, %broadcast_in_dim3A_245 : vector<16xi1>, vector<16xf32>
        %add3A_247 = arith.constant 32 : i32
        %add3A_248 = arith.addi %mul3A_195, %add3A_247 : i32
        %swap3A_249 = arith.index_cast %add3A_248 : i32 to index
        %swap3A_250 = tpu.vector_load %arg5[%swap3A_249] {strides = array<i32>} : memref<4096xf32, #tpu.memory_space<vmem>>, vector<16xf32>,
        %swap3A_251 = vector.shape_cast %swap3A_250 : vector<16xf32> to vector<16xf32>
        %swap3A_252 = vector.shape_cast %select_n3A_246 : vector<16xf32> to vector<16xf32>
        tpu.vector_store %arg5[%swap3A_249], %swap3A_252 {strides = array<i32>} : memref<4096xf32, #tpu.memory_space<vmem>>, vector<16xf32>,
        %add3A_253 = arith.constant 48 : i32
        %add3A_254 = arith.addi %mul3A_195, %add3A_253 : i32
        %add3A_255 = vector.broadcast %add3A_254 : i32 to vector<16xi32>
        %add3A_256 = arith.addi %iota3A, %add3A_255 : vector<16xi32>
        %add3A_257 = arith.constant 48 : i32
        %add3A_258 = arith.addi %mul3A_195, %add3A_257 : i32
        %get3A_259 = arith.index_cast %add3A_258 : i32 to index
        %get3A_260 = tpu.vector_load %arg5[%get3A_259] {strides = array<i32>} : memref<4096xf32, #tpu.memory_space<vmem>>, vector<16xf32>,
        %get3A_261 = vector.shape_cast %get3A_260 : vector<16xf32> to vector<16xf32>
        %lt3A_262 = arith.cmpi slt, %add3A_256, %add3A_58 : vector<16xi32>
        %jit3A_263 = arith.constant -1.000000e+00 : f32
        %broadcast_in_dim3A_264 = vector.broadcast %jit3A_263 : f32 to vector<16xf32>
        %select_n3A_265 = arith.select %lt3A_262, %get3A_261, %broadcast_in_dim3A_264 : vector<16xi1>, vector<16xf32>
        %add3A_266 = arith.constant 48 : i32
        %add3A_267 = arith.addi %mul3A_195, %add3A_266 : i32
        %swap3A_268 = arith.index_cast %add3A_267 : i32 to index
        %swap3A_269 = tpu.vector_load %arg5[%swap3A_268] {strides = array<i32>} : memref<4096xf32, #tpu.memory_space<vmem>>, vector<16xf32>,
        %swap3A_270 = vector.shape_cast %swap3A_269 : vector<16xf32> to vector<16xf32>
        %swap3A_271 = vector.shape_cast %select_n3A_265 : vector<16xf32> to vector<16xf32>
        tpu.vector_store %arg5[%swap3A_268], %swap3A_271 {strides = array<i32>} : memref<4096xf32, #tpu.memory_space<vmem>>, vector<16xf32>,
        %add3A_272 = arith.constant 64 : i32
        %add3A_273 = arith.addi %mul3A_195, %add3A_272 : i32
        %add3A_274 = vector.broadcast %add3A_273 : i32 to vector<16xi32>
        %add3A_275 = arith.addi %iota3A, %add3A_274 : vector<16xi32>
        %add3A_276 = arith.constant 64 : i32
        %add3A_277 = arith.addi %mul3A_195, %add3A_276 : i32
        %get3A_278 = arith.index_cast %add3A_277 : i32 to index
        %get3A_279 = tpu.vector_load %arg5[%get3A_278] {strides = array<i32>} : memref<4096xf32, #tpu.memory_space<vmem>>, vector<16xf32>,
        %get3A_280 = vector.shape_cast %get3A_279 : vector<16xf32> to vector<16xf32>
        %lt3A_281 = arith.cmpi slt, %add3A_275, %add3A_58 : vector<16xi32>
        %jit3A_282 = arith.constant -1.000000e+00 : f32
        %broadcast_in_dim3A_283 = vector.broadcast %jit3A_282 : f32 to vector<16xf32>
        %select_n3A_284 = arith.select %lt3A_281, %get3A_280, %broadcast_in_dim3A_283 : vector<16xi1>, vector<16xf32>
        %add3A_285 = arith.constant 64 : i32
        %add3A_286 = arith.addi %mul3A_195, %add3A_285 : i32
        %swap3A_287 = arith.index_cast %add3A_286 : i32 to index
        %swap3A_288 = tpu.vector_load %arg5[%swap3A_287] {strides = array<i32>} : memref<4096xf32, #tpu.memory_space<vmem>>, vector<16xf32>,
        %swap3A_289 = vector.shape_cast %swap3A_288 : vector<16xf32> to vector<16xf32>
        %swap3A_290 = vector.shape_cast %select_n3A_284 : vector<16xf32> to vector<16xf32>
        tpu.vector_store %arg5[%swap3A_287], %swap3A_290 {strides = array<i32>} : memref<4096xf32, #tpu.memory_space<vmem>>, vector<16xf32>,
        %add3A_291 = arith.constant 80 : i32
        %add3A_292 = arith.addi %mul3A_195, %add3A_291 : i32
        %add3A_293 = vector.broadcast %add3A_292 : i32 to vector<16xi32>
        %add3A_294 = arith.addi %iota3A, %add3A_293 : vector<16xi32>
        %add3A_295 = arith.constant 80 : i32
        %add3A_296 = arith.addi %mul3A_195, %add3A_295 : i32
        %get3A_297 = arith.index_cast %add3A_296 : i32 to index
        %get3A_298 = tpu.vector_load %arg5[%get3A_297] {strides = array<i32>} : memref<4096xf32, #tpu.memory_space<vmem>>, vector<16xf32>,
        %get3A_299 = vector.shape_cast %get3A_298 : vector<16xf32> to vector<16xf32>
        %lt3A_300 = arith.cmpi slt, %add3A_294, %add3A_58 : vector<16xi32>
        %jit3A_301 = arith.constant -1.000000e+00 : f32
        %broadcast_in_dim3A_302 = vector.broadcast %jit3A_301 : f32 to vector<16xf32>
        %select_n3A_303 = arith.select %lt3A_300, %get3A_299, %broadcast_in_dim3A_302 : vector<16xi1>, vector<16xf32>
        %add3A_304 = arith.constant 80 : i32
        %add3A_305 = arith.addi %mul3A_195, %add3A_304 : i32
        %swap3A_306 = arith.index_cast %add3A_305 : i32 to index
        %swap3A_307 = tpu.vector_load %arg5[%swap3A_306] {strides = array<i32>} : memref<4096xf32, #tpu.memory_space<vmem>>, vector<16xf32>,
        %swap3A_308 = vector.shape_cast %swap3A_307 : vector<16xf32> to vector<16xf32>
        %swap3A_309 = vector.shape_cast %select_n3A_303 : vector<16xf32> to vector<16xf32>
        tpu.vector_store %arg5[%swap3A_306], %swap3A_309 {strides = array<i32>} : memref<4096xf32, #tpu.memory_space<vmem>>, vector<16xf32>,
        %add3A_310 = arith.constant 96 : i32
        %add3A_311 = arith.addi %mul3A_195, %add3A_310 : i32
        %add3A_312 = vector.broadcast %add3A_311 : i32 to vector<16xi32>
        %add3A_313 = arith.addi %iota3A, %add3A_312 : vector<16xi32>
        %add3A_314 = arith.constant 96 : i32
        %add3A_315 = arith.addi %mul3A_195, %add3A_314 : i32
        %get3A_316 = arith.index_cast %add3A_315 : i32 to index
        %get3A_317 = tpu.vector_load %arg5[%get3A_316] {strides = array<i32>} : memref<4096xf32, #tpu.memory_space<vmem>>, vector<16xf32>,
        %get3A_318 = vector.shape_cast %get3A_317 : vector<16xf32> to vector<16xf32>
        %lt3A_319 = arith.cmpi slt, %add3A_313, %add3A_58 : vector<16xi32>
        %jit3A_320 = arith.constant -1.000000e+00 : f32
        %broadcast_in_dim3A_321 = vector.broadcast %jit3A_320 : f32 to vector<16xf32>
        %select_n3A_322 = arith.select %lt3A_319, %get3A_318, %broadcast_in_dim3A_321 : vector<16xi1>, vector<16xf32>
        %add3A_323 = arith.constant 96 : i32
        %add3A_324 = arith.addi %mul3A_195, %add3A_323 : i32
        %swap3A_325 = arith.index_cast %add3A_324 : i32 to index
        %swap3A_326 = tpu.vector_load %arg5[%swap3A_325] {strides = array<i32>} : memref<4096xf32, #tpu.memory_space<vmem>>, vector<16xf32>,
        %swap3A_327 = vector.shape_cast %swap3A_326 : vector<16xf32> to vector<16xf32>
        %swap3A_328 = vector.shape_cast %select_n3A_322 : vector<16xf32> to vector<16xf32>
        tpu.vector_store %arg5[%swap3A_325], %swap3A_328 {strides = array<i32>} : memref<4096xf32, #tpu.memory_space<vmem>>, vector<16xf32>,
        %add3A_329 = arith.constant 112 : i32
        %add3A_330 = arith.addi %mul3A_195, %add3A_329 : i32
        %add3A_331 = vector.broadcast %add3A_330 : i32 to vector<16xi32>
        %add3A_332 = arith.addi %iota3A, %add3A_331 : vector<16xi32>
        %add3A_333 = arith.constant 112 : i32
        %add3A_334 = arith.addi %mul3A_195, %add3A_333 : i32
        %get3A_335 = arith.index_cast %add3A_334 : i32 to index
        %get3A_336 = tpu.vector_load %arg5[%get3A_335] {strides = array<i32>} : memref<4096xf32, #tpu.memory_space<vmem>>, vector<16xf32>,
        %get3A_337 = vector.shape_cast %get3A_336 : vector<16xf32> to vector<16xf32>
        %lt3A_338 = arith.cmpi slt, %add3A_332, %add3A_58 : vector<16xi32>
        %jit3A_339 = arith.constant -1.000000e+00 : f32
        %broadcast_in_dim3A_340 = vector.broadcast %jit3A_339 : f32 to vector<16xf32>
        %select_n3A_341 = arith.select %lt3A_338, %get3A_337, %broadcast_in_dim3A_340 : vector<16xi1>, vector<16xf32>
        %add3A_342 = arith.constant 112 : i32
        %add3A_343 = arith.addi %mul3A_195, %add3A_342 : i32
        %swap3A_344 = arith.index_cast %add3A_343 : i32 to index
        %swap3A_345 = tpu.vector_load %arg5[%swap3A_344] {strides = array<i32>} : memref<4096xf32, #tpu.memory_space<vmem>>, vector<16xf32>,
        %swap3A_346 = vector.shape_cast %swap3A_345 : vector<16xf32> to vector<16xf32>
        %swap3A_347 = vector.shape_cast %select_n3A_341 : vector<16xf32> to vector<16xf32>
        tpu.vector_store %arg5[%swap3A_344], %swap3A_347 {strides = array<i32>} : memref<4096xf32, #tpu.memory_space<vmem>>, vector<16xf32>,
        %add3A_348 = arith.constant 128 : i32
        %add3A_349 = arith.addi %mul3A_195, %add3A_348 : i32
        %add3A_350 = vector.broadcast %add3A_349 : i32 to vector<16xi32>
        %add3A_351 = arith.addi %iota3A, %add3A_350 : vector<16xi32>
        %add3A_352 = arith.constant 128 : i32
        %add3A_353 = arith.addi %mul3A_195, %add3A_352 : i32
        %get3A_354 = arith.index_cast %add3A_353 : i32 to index
        %get3A_355 = tpu.vector_load %arg5[%get3A_354] {strides = array<i32>} : memref<4096xf32, #tpu.memory_space<vmem>>, vector<16xf32>,
        %get3A_356 = vector.shape_cast %get3A_355 : vector<16xf32> to vector<16xf32>
        %lt3A_357 = arith.cmpi slt, %add3A_351, %add3A_58 : vector<16xi32>
        %jit3A_358 = arith.constant -1.000000e+00 : f32
        %broadcast_in_dim3A_359 = vector.broadcast %jit3A_358 : f32 to vector<16xf32>
        %select_n3A_360 = arith.select %lt3A_357, %get3A_356, %broadcast_in_dim3A_359 : vector<16xi1>, vector<16xf32>
        %add3A_361 = arith.constant 128 : i32
        %add3A_362 = arith.addi %mul3A_195, %add3A_361 : i32
        %swap3A_363 = arith.index_cast %add3A_362 : i32 to index
        %swap3A_364 = tpu.vector_load %arg5[%swap3A_363] {strides = array<i32>} : memref<4096xf32, #tpu.memory_space<vmem>>, vector<16xf32>,
        %swap3A_365 = vector.shape_cast %swap3A_364 : vector<16xf32> to vector<16xf32>
        %swap3A_366 = vector.shape_cast %select_n3A_360 : vector<16xf32> to vector<16xf32>
        tpu.vector_store %arg5[%swap3A_363], %swap3A_366 {strides = array<i32>} : memref<4096xf32, #tpu.memory_space<vmem>>, vector<16xf32>,
        %add3A_367 = arith.constant 144 : i32
        %add3A_368 = arith.addi %mul3A_195, %add3A_367 : i32
        %add3A_369 = vector.broadcast %add3A_368 : i32 to vector<16xi32>
        %add3A_370 = arith.addi %iota3A, %add3A_369 : vector<16xi32>
        %add3A_371 = arith.constant 144 : i32
        %add3A_372 = arith.addi %mul3A_195, %add3A_371 : i32
        %get3A_373 = arith.index_cast %add3A_372 : i32 to index
        %get3A_374 = tpu.vector_load %arg5[%get3A_373] {strides = array<i32>} : memref<4096xf32, #tpu.memory_space<vmem>>, vector<16xf32>,
        %get3A_375 = vector.shape_cast %get3A_374 : vector<16xf32> to vector<16xf32>
        %lt3A_376 = arith.cmpi slt, %add3A_370, %add3A_58 : vector<16xi32>
        %jit3A_377 = arith.constant -1.000000e+00 : f32
        %broadcast_in_dim3A_378 = vector.broadcast %jit3A_377 : f32 to vector<16xf32>
        %select_n3A_379 = arith.select %lt3A_376, %get3A_375, %broadcast_in_dim3A_378 : vector<16xi1>, vector<16xf32>
        %add3A_380 = arith.constant 144 : i32
        %add3A_381 = arith.addi %mul3A_195, %add3A_380 : i32
        %swap3A_382 = arith.index_cast %add3A_381 : i32 to index
        %swap3A_383 = tpu.vector_load %arg5[%swap3A_382] {strides = array<i32>} : memref<4096xf32, #tpu.memory_space<vmem>>, vector<16xf32>,
        %swap3A_384 = vector.shape_cast %swap3A_383 : vector<16xf32> to vector<16xf32>
        %swap3A_385 = vector.shape_cast %select_n3A_379 : vector<16xf32> to vector<16xf32>
        tpu.vector_store %arg5[%swap3A_382], %swap3A_385 {strides = array<i32>} : memref<4096xf32, #tpu.memory_space<vmem>>, vector<16xf32>,
        %add3A_386 = arith.constant 160 : i32
        %add3A_387 = arith.addi %mul3A_195, %add3A_386 : i32
        %add3A_388 = vector.broadcast %add3A_387 : i32 to vector<16xi32>
        %add3A_389 = arith.addi %iota3A, %add3A_388 : vector<16xi32>
        %add3A_390 = arith.constant 160 : i32
        %add3A_391 = arith.addi %mul3A_195, %add3A_390 : i32
        %get3A_392 = arith.index_cast %add3A_391 : i32 to index
        %get3A_393 = tpu.vector_load %arg5[%get3A_392] {strides = array<i32>} : memref<4096xf32, #tpu.memory_space<vmem>>, vector<16xf32>,
        %get3A_394 = vector.shape_cast %get3A_393 : vector<16xf32> to vector<16xf32>
        %lt3A_395 = arith.cmpi slt, %add3A_389, %add3A_58 : vector<16xi32>
        %jit3A_396 = arith.constant -1.000000e+00 : f32
        %broadcast_in_dim3A_397 = vector.broadcast %jit3A_396 : f32 to vector<16xf32>
        %select_n3A_398 = arith.select %lt3A_395, %get3A_394, %broadcast_in_dim3A_397 : vector<16xi1>, vector<16xf32>
        %add3A_399 = arith.constant 160 : i32
        %add3A_400 = arith.addi %mul3A_195, %add3A_399 : i32
        %swap3A_401 = arith.index_cast %add3A_400 : i32 to index
        %swap3A_402 = tpu.vector_load %arg5[%swap3A_401] {strides = array<i32>} : memref<4096xf32, #tpu.memory_space<vmem>>, vector<16xf32>,
        %swap3A_403 = vector.shape_cast %swap3A_402 : vector<16xf32> to vector<16xf32>
        %swap3A_404 = vector.shape_cast %select_n3A_398 : vector<16xf32> to vector<16xf32>
        tpu.vector_store %arg5[%swap3A_401], %swap3A_404 {strides = array<i32>} : memref<4096xf32, #tpu.memory_space<vmem>>, vector<16xf32>,
        %add3A_405 = arith.constant 176 : i32
        %add3A_406 = arith.addi %mul3A_195, %add3A_405 : i32
        %add3A_407 = vector.broadcast %add3A_406 : i32 to vector<16xi32>
        %add3A_408 = arith.addi %iota3A, %add3A_407 : vector<16xi32>
        %add3A_409 = arith.constant 176 : i32
        %add3A_410 = arith.addi %mul3A_195, %add3A_409 : i32
        %get3A_411 = arith.index_cast %add3A_410 : i32 to index
        %get3A_412 = tpu.vector_load %arg5[%get3A_411] {strides = array<i32>} : memref<4096xf32, #tpu.memory_space<vmem>>, vector<16xf32>,
        %get3A_413 = vector.shape_cast %get3A_412 : vector<16xf32> to vector<16xf32>
        %lt3A_414 = arith.cmpi slt, %add3A_408, %add3A_58 : vector<16xi32>
        %jit3A_415 = arith.constant -1.000000e+00 : f32
        %broadcast_in_dim3A_416 = vector.broadcast %jit3A_415 : f32 to vector<16xf32>
        %select_n3A_417 = arith.select %lt3A_414, %get3A_413, %broadcast_in_dim3A_416 : vector<16xi1>, vector<16xf32>
        %add3A_418 = arith.constant 176 : i32
        %add3A_419 = arith.addi %mul3A_195, %add3A_418 : i32
        %swap3A_420 = arith.index_cast %add3A_419 : i32 to index
        %swap3A_421 = tpu.vector_load %arg5[%swap3A_420] {strides = array<i32>} : memref<4096xf32, #tpu.memory_space<vmem>>, vector<16xf32>,
        %swap3A_422 = vector.shape_cast %swap3A_421 : vector<16xf32> to vector<16xf32>
        %swap3A_423 = vector.shape_cast %select_n3A_417 : vector<16xf32> to vector<16xf32>
        tpu.vector_store %arg5[%swap3A_420], %swap3A_423 {strides = array<i32>} : memref<4096xf32, #tpu.memory_space<vmem>>, vector<16xf32>,
        %add3A_424 = arith.constant 192 : i32
        %add3A_425 = arith.addi %mul3A_195, %add3A_424 : i32
        %add3A_426 = vector.broadcast %add3A_425 : i32 to vector<16xi32>
        %add3A_427 = arith.addi %iota3A, %add3A_426 : vector<16xi32>
        %add3A_428 = arith.constant 192 : i32
        %add3A_429 = arith.addi %mul3A_195, %add3A_428 : i32
        %get3A_430 = arith.index_cast %add3A_429 : i32 to index
        %get3A_431 = tpu.vector_load %arg5[%get3A_430] {strides = array<i32>} : memref<4096xf32, #tpu.memory_space<vmem>>, vector<16xf32>,
        %get3A_432 = vector.shape_cast %get3A_431 : vector<16xf32> to vector<16xf32>
        %lt3A_433 = arith.cmpi slt, %add3A_427, %add3A_58 : vector<16xi32>
        %jit3A_434 = arith.constant -1.000000e+00 : f32
        %broadcast_in_dim3A_435 = vector.broadcast %jit3A_434 : f32 to vector<16xf32>
        %select_n3A_436 = arith.select %lt3A_433, %get3A_432, %broadcast_in_dim3A_435 : vector<16xi1>, vector<16xf32>
        %add3A_437 = arith.constant 192 : i32
        %add3A_438 = arith.addi %mul3A_195, %add3A_437 : i32
        %swap3A_439 = arith.index_cast %add3A_438 : i32 to index
        %swap3A_440 = tpu.vector_load %arg5[%swap3A_439] {strides = array<i32>} : memref<4096xf32, #tpu.memory_space<vmem>>, vector<16xf32>,
        %swap3A_441 = vector.shape_cast %swap3A_440 : vector<16xf32> to vector<16xf32>
        %swap3A_442 = vector.shape_cast %select_n3A_436 : vector<16xf32> to vector<16xf32>
        tpu.vector_store %arg5[%swap3A_439], %swap3A_442 {strides = array<i32>} : memref<4096xf32, #tpu.memory_space<vmem>>, vector<16xf32>,
        %add3A_443 = arith.constant 208 : i32
        %add3A_444 = arith.addi %mul3A_195, %add3A_443 : i32
        %add3A_445 = vector.broadcast %add3A_444 : i32 to vector<16xi32>
        %add3A_446 = arith.addi %iota3A, %add3A_445 : vector<16xi32>
        %add3A_447 = arith.constant 208 : i32
        %add3A_448 = arith.addi %mul3A_195, %add3A_447 : i32
        %get3A_449 = arith.index_cast %add3A_448 : i32 to index
        %get3A_450 = tpu.vector_load %arg5[%get3A_449] {strides = array<i32>} : memref<4096xf32, #tpu.memory_space<vmem>>, vector<16xf32>,
        %get3A_451 = vector.shape_cast %get3A_450 : vector<16xf32> to vector<16xf32>
        %lt3A_452 = arith.cmpi slt, %add3A_446, %add3A_58 : vector<16xi32>
        %jit3A_453 = arith.constant -1.000000e+00 : f32
        %broadcast_in_dim3A_454 = vector.broadcast %jit3A_453 : f32 to vector<16xf32>
        %select_n3A_455 = arith.select %lt3A_452, %get3A_451, %broadcast_in_dim3A_454 : vector<16xi1>, vector<16xf32>
        %add3A_456 = arith.constant 208 : i32
        %add3A_457 = arith.addi %mul3A_195, %add3A_456 : i32
        %swap3A_458 = arith.index_cast %add3A_457 : i32 to index
        %swap3A_459 = tpu.vector_load %arg5[%swap3A_458] {strides = array<i32>} : memref<4096xf32, #tpu.memory_space<vmem>>, vector<16xf32>,
        %swap3A_460 = vector.shape_cast %swap3A_459 : vector<16xf32> to vector<16xf32>
        %swap3A_461 = vector.shape_cast %select_n3A_455 : vector<16xf32> to vector<16xf32>
        tpu.vector_store %arg5[%swap3A_458], %swap3A_461 {strides = array<i32>} : memref<4096xf32, #tpu.memory_space<vmem>>, vector<16xf32>,
        %add3A_462 = arith.constant 224 : i32
        %add3A_463 = arith.addi %mul3A_195, %add3A_462 : i32
        %add3A_464 = vector.broadcast %add3A_463 : i32 to vector<16xi32>
        %add3A_465 = arith.addi %iota3A, %add3A_464 : vector<16xi32>
        %add3A_466 = arith.constant 224 : i32
        %add3A_467 = arith.addi %mul3A_195, %add3A_466 : i32
        %get3A_468 = arith.index_cast %add3A_467 : i32 to index
        %get3A_469 = tpu.vector_load %arg5[%get3A_468] {strides = array<i32>} : memref<4096xf32, #tpu.memory_space<vmem>>, vector<16xf32>,
        %get3A_470 = vector.shape_cast %get3A_469 : vector<16xf32> to vector<16xf32>
        %lt3A_471 = arith.cmpi slt, %add3A_465, %add3A_58 : vector<16xi32>
        %jit3A_472 = arith.constant -1.000000e+00 : f32
        %broadcast_in_dim3A_473 = vector.broadcast %jit3A_472 : f32 to vector<16xf32>
        %select_n3A_474 = arith.select %lt3A_471, %get3A_470, %broadcast_in_dim3A_473 : vector<16xi1>, vector<16xf32>
        %add3A_475 = arith.constant 224 : i32
        %add3A_476 = arith.addi %mul3A_195, %add3A_475 : i32
        %swap3A_477 = arith.index_cast %add3A_476 : i32 to index
        %swap3A_478 = tpu.vector_load %arg5[%swap3A_477] {strides = array<i32>} : memref<4096xf32, #tpu.memory_space<vmem>>, vector<16xf32>,
        %swap3A_479 = vector.shape_cast %swap3A_478 : vector<16xf32> to vector<16xf32>
        %swap3A_480 = vector.shape_cast %select_n3A_474 : vector<16xf32> to vector<16xf32>
        tpu.vector_store %arg5[%swap3A_477], %swap3A_480 {strides = array<i32>} : memref<4096xf32, #tpu.memory_space<vmem>>, vector<16xf32>,
        %add3A_481 = arith.constant 240 : i32
        %add3A_482 = arith.addi %mul3A_195, %add3A_481 : i32
        %add3A_483 = vector.broadcast %add3A_482 : i32 to vector<16xi32>
        %add3A_484 = arith.addi %iota3A, %add3A_483 : vector<16xi32>
        %add3A_485 = arith.constant 240 : i32
        %add3A_486 = arith.addi %mul3A_195, %add3A_485 : i32
        %get3A_487 = arith.index_cast %add3A_486 : i32 to index
        %get3A_488 = tpu.vector_load %arg5[%get3A_487] {strides = array<i32>} : memref<4096xf32, #tpu.memory_space<vmem>>, vector<16xf32>,
        %get3A_489 = vector.shape_cast %get3A_488 : vector<16xf32> to vector<16xf32>
        %lt3A_490 = arith.cmpi slt, %add3A_484, %add3A_58 : vector<16xi32>
        %jit3A_491 = arith.constant -1.000000e+00 : f32
        %broadcast_in_dim3A_492 = vector.broadcast %jit3A_491 : f32 to vector<16xf32>
        %select_n3A_493 = arith.select %lt3A_490, %get3A_489, %broadcast_in_dim3A_492 : vector<16xi1>, vector<16xf32>
        %add3A_494 = arith.constant 240 : i32
        %add3A_495 = arith.addi %mul3A_195, %add3A_494 : i32
        %swap3A_496 = arith.index_cast %add3A_495 : i32 to index
        %swap3A_497 = tpu.vector_load %arg5[%swap3A_496] {strides = array<i32>} : memref<4096xf32, #tpu.memory_space<vmem>>, vector<16xf32>,
        %swap3A_498 = vector.shape_cast %swap3A_497 : vector<16xf32> to vector<16xf32>
        %swap3A_499 = vector.shape_cast %select_n3A_493 : vector<16xf32> to vector<16xf32>
        tpu.vector_store %arg5[%swap3A_496], %swap3A_499 {strides = array<i32>} : memref<4096xf32, #tpu.memory_space<vmem>>, vector<16xf32>,
        %scan3A_500 = arith.constant 0 : i32
        scf.yield %scan3A_500 : i32
      }
      %scan3A_69 = arith.constant 16 : i32
      %broadcast_in_dim3A_70 = arith.constant 0 : i32
      %broadcast_in_dim3A_71 = vector.broadcast %broadcast_in_dim3A_70 : i32 to vector<16xi32>
      %broadcast_in_dim3A_72 = arith.constant 1065353216 : i32
      %broadcast_in_dim3A_73 = vector.broadcast %broadcast_in_dim3A_72 : i32 to vector<16xi32>
      %scan3A_74 = arith.constant 0 : i32
      %scan3A_75 = arith.constant 31 : i32
      %scan3A_76 = arith.addi %scan3A_74, %scan3A_75 : i32
      %scan3A_77 = arith.constant 1 : i32
      %scan3A_78:2 = scf.for %scan3A_192 = %scan3A_74 to %scan3A_76 step %scan3A_77 iter_args(%scan3A_193 = %broadcast_in_dim3A_71, %scan3A_194 = %broadcast_in_dim3A_73) -> (vector<16xi32>, vector<16xi32>)  : i32 {
        %add3A_195 = arith.addi %scan3A_193, %scan3A_194 : vector<16xi32>
        %shift_right_arithmetic3A_196 = arith.constant 1 : i32
        %shift_right_arithmetic3A_197 = vector.broadcast %shift_right_arithmetic3A_196 : i32 to vector<16xi32>
        %shift_right_arithmetic3A_198 = arith.shrsi %add3A_195, %shift_right_arithmetic3A_197 : vector<16xi32>
        %bitcast_convert_type3A_199 = tpu.bitcast %shift_right_arithmetic3A_198 : vector<16xi32> -> vector<16xf32>
        %scan3A_200 = arith.constant 0 : i32
        %scan3A_201 = arith.constant 16 : i32
        %scan3A_202 = arith.addi %scan3A_200, %scan3A_201 : i32
        %scan3A_203 = arith.constant 1 : i32
        %scan3A_204:4 = scf.for %scan3A_259 = %scan3A_200 to %scan3A_202 step %scan3A_203 iter_args(%scan3A_260 = %broadcast_in_dim3A_7, %scan3A_261 = %broadcast_in_dim3A_7, %scan3A_262 = %broadcast_in_dim3A_7, %scan3A_263 = %broadcast_in_dim3A_7) -> (vector<16xi32>, vector<16xi32>, vector<16xi32>, vector<16xi32>)  : i32 {
          %mul3A_264 = arith.constant 256 : i32
          %mul3A_265 = arith.muli %scan3A_259, %mul3A_264 : i32
          %add3A_266 = arith.constant 0 : i32
          %add3A_267 = arith.addi %mul3A_265, %add3A_266 : i32
          %get3A_268 = arith.index_cast %add3A_267 : i32 to index
          %get3A_269 = tpu.vector_load %arg5[%get3A_268] {strides = array<i32>} : memref<4096xf32, #tpu.memory_space<vmem>>, vector<16xf32>,
          %get3A_270 = vector.shape_cast %get3A_269 : vector<16xf32> to vector<16xf32>
          %ge3A_271 = arith.cmpf oge, %get3A_270, %bitcast_convert_type3A_199 : vector<16xf32>
          %select_n3A_272 = arith.select %ge3A_271, %broadcast_in_dim3A_5, %broadcast_in_dim3A_7 : vector<16xi1>, vector<16xi32>
          %add3A_273 = arith.addi %scan3A_260, %select_n3A_272 : vector<16xi32>
          %add3A_274 = arith.constant 16 : i32
          %add3A_275 = arith.addi %mul3A_265, %add3A_274 : i32
          %get3A_276 = arith.index_cast %add3A_275 : i32 to index
          %get3A_277 = tpu.vector_load %arg5[%get3A_276] {strides = array<i32>} : memref<4096xf32, #tpu.memory_space<vmem>>, vector<16xf32>,
          %get3A_278 = vector.shape_cast %get3A_277 : vector<16xf32> to vector<16xf32>
          %ge3A_279 = arith.cmpf oge, %get3A_278, %bitcast_convert_type3A_199 : vector<16xf32>
          %select_n3A_280 = arith.select %ge3A_279, %broadcast_in_dim3A_5, %broadcast_in_dim3A_7 : vector<16xi1>, vector<16xi32>
          %add3A_281 = arith.addi %scan3A_261, %select_n3A_280 : vector<16xi32>
          %add3A_282 = arith.constant 32 : i32
          %add3A_283 = arith.addi %mul3A_265, %add3A_282 : i32
          %get3A_284 = arith.index_cast %add3A_283 : i32 to index
          %get3A_285 = tpu.vector_load %arg5[%get3A_284] {strides = array<i32>} : memref<4096xf32, #tpu.memory_space<vmem>>, vector<16xf32>,
          %get3A_286 = vector.shape_cast %get3A_285 : vector<16xf32> to vector<16xf32>
          %ge3A_287 = arith.cmpf oge, %get3A_286, %bitcast_convert_type3A_199 : vector<16xf32>
          %select_n3A_288 = arith.select %ge3A_287, %broadcast_in_dim3A_5, %broadcast_in_dim3A_7 : vector<16xi1>, vector<16xi32>
          %add3A_289 = arith.addi %scan3A_262, %select_n3A_288 : vector<16xi32>
          %add3A_290 = arith.constant 48 : i32
          %add3A_291 = arith.addi %mul3A_265, %add3A_290 : i32
          %get3A_292 = arith.index_cast %add3A_291 : i32 to index
          %get3A_293 = tpu.vector_load %arg5[%get3A_292] {strides = array<i32>} : memref<4096xf32, #tpu.memory_space<vmem>>, vector<16xf32>,
          %get3A_294 = vector.shape_cast %get3A_293 : vector<16xf32> to vector<16xf32>
          %ge3A_295 = arith.cmpf oge, %get3A_294, %bitcast_convert_type3A_199 : vector<16xf32>
          %select_n3A_296 = arith.select %ge3A_295, %broadcast_in_dim3A_5, %broadcast_in_dim3A_7 : vector<16xi1>, vector<16xi32>
          %add3A_297 = arith.addi %scan3A_263, %select_n3A_296 : vector<16xi32>
          %add3A_298 = arith.constant 64 : i32
          %add3A_299 = arith.addi %mul3A_265, %add3A_298 : i32
          %get3A_300 = arith.index_cast %add3A_299 : i32 to index
          %get3A_301 = tpu.vector_load %arg5[%get3A_300] {strides = array<i32>} : memref<4096xf32, #tpu.memory_space<vmem>>, vector<16xf32>,
          %get3A_302 = vector.shape_cast %get3A_301 : vector<16xf32> to vector<16xf32>
          %ge3A_303 = arith.cmpf oge, %get3A_302, %bitcast_convert_type3A_199 : vector<16xf32>
          %select_n3A_304 = arith.select %ge3A_303, %broadcast_in_dim3A_5, %broadcast_in_dim3A_7 : vector<16xi1>, vector<16xi32>
          %add3A_305 = arith.addi %add3A_273, %select_n3A_304 : vector<16xi32>
          %add3A_306 = arith.constant 80 : i32
          %add3A_307 = arith.addi %mul3A_265, %add3A_306 : i32
          %get3A_308 = arith.index_cast %add3A_307 : i32 to index
          %get3A_309 = tpu.vector_load %arg5[%get3A_308] {strides = array<i32>} : memref<4096xf32, #tpu.memory_space<vmem>>, vector<16xf32>,
          %get3A_310 = vector.shape_cast %get3A_309 : vector<16xf32> to vector<16xf32>
          %ge3A_311 = arith.cmpf oge, %get3A_310, %bitcast_convert_type3A_199 : vector<16xf32>
          %select_n3A_312 = arith.select %ge3A_311, %broadcast_in_dim3A_5, %broadcast_in_dim3A_7 : vector<16xi1>, vector<16xi32>
          %add3A_313 = arith.addi %add3A_281, %select_n3A_312 : vector<16xi32>
          %add3A_314 = arith.constant 96 : i32
          %add3A_315 = arith.addi %mul3A_265, %add3A_314 : i32
          %get3A_316 = arith.index_cast %add3A_315 : i32 to index
          %get3A_317 = tpu.vector_load %arg5[%get3A_316] {strides = array<i32>} : memref<4096xf32, #tpu.memory_space<vmem>>, vector<16xf32>,
          %get3A_318 = vector.shape_cast %get3A_317 : vector<16xf32> to vector<16xf32>
          %ge3A_319 = arith.cmpf oge, %get3A_318, %bitcast_convert_type3A_199 : vector<16xf32>
          %select_n3A_320 = arith.select %ge3A_319, %broadcast_in_dim3A_5, %broadcast_in_dim3A_7 : vector<16xi1>, vector<16xi32>
          %add3A_321 = arith.addi %add3A_289, %select_n3A_320 : vector<16xi32>
          %add3A_322 = arith.constant 112 : i32
          %add3A_323 = arith.addi %mul3A_265, %add3A_322 : i32
          %get3A_324 = arith.index_cast %add3A_323 : i32 to index
          %get3A_325 = tpu.vector_load %arg5[%get3A_324] {strides = array<i32>} : memref<4096xf32, #tpu.memory_space<vmem>>, vector<16xf32>,
          %get3A_326 = vector.shape_cast %get3A_325 : vector<16xf32> to vector<16xf32>
          %ge3A_327 = arith.cmpf oge, %get3A_326, %bitcast_convert_type3A_199 : vector<16xf32>
          %select_n3A_328 = arith.select %ge3A_327, %broadcast_in_dim3A_5, %broadcast_in_dim3A_7 : vector<16xi1>, vector<16xi32>
          %add3A_329 = arith.addi %add3A_297, %select_n3A_328 : vector<16xi32>
          %add3A_330 = arith.constant 128 : i32
          %add3A_331 = arith.addi %mul3A_265, %add3A_330 : i32
          %get3A_332 = arith.index_cast %add3A_331 : i32 to index
          %get3A_333 = tpu.vector_load %arg5[%get3A_332] {strides = array<i32>} : memref<4096xf32, #tpu.memory_space<vmem>>, vector<16xf32>,
          %get3A_334 = vector.shape_cast %get3A_333 : vector<16xf32> to vector<16xf32>
          %ge3A_335 = arith.cmpf oge, %get3A_334, %bitcast_convert_type3A_199 : vector<16xf32>
          %select_n3A_336 = arith.select %ge3A_335, %broadcast_in_dim3A_5, %broadcast_in_dim3A_7 : vector<16xi1>, vector<16xi32>
          %add3A_337 = arith.addi %add3A_305, %select_n3A_336 : vector<16xi32>
          %add3A_338 = arith.constant 144 : i32
          %add3A_339 = arith.addi %mul3A_265, %add3A_338 : i32
          %get3A_340 = arith.index_cast %add3A_339 : i32 to index
          %get3A_341 = tpu.vector_load %arg5[%get3A_340] {strides = array<i32>} : memref<4096xf32, #tpu.memory_space<vmem>>, vector<16xf32>,
          %get3A_342 = vector.shape_cast %get3A_341 : vector<16xf32> to vector<16xf32>
          %ge3A_343 = arith.cmpf oge, %get3A_342, %bitcast_convert_type3A_199 : vector<16xf32>
          %select_n3A_344 = arith.select %ge3A_343, %broadcast_in_dim3A_5, %broadcast_in_dim3A_7 : vector<16xi1>, vector<16xi32>
          %add3A_345 = arith.addi %add3A_313, %select_n3A_344 : vector<16xi32>
          %add3A_346 = arith.constant 160 : i32
          %add3A_347 = arith.addi %mul3A_265, %add3A_346 : i32
          %get3A_348 = arith.index_cast %add3A_347 : i32 to index
          %get3A_349 = tpu.vector_load %arg5[%get3A_348] {strides = array<i32>} : memref<4096xf32, #tpu.memory_space<vmem>>, vector<16xf32>,
          %get3A_350 = vector.shape_cast %get3A_349 : vector<16xf32> to vector<16xf32>
          %ge3A_351 = arith.cmpf oge, %get3A_350, %bitcast_convert_type3A_199 : vector<16xf32>
          %select_n3A_352 = arith.select %ge3A_351, %broadcast_in_dim3A_5, %broadcast_in_dim3A_7 : vector<16xi1>, vector<16xi32>
          %add3A_353 = arith.addi %add3A_321, %select_n3A_352 : vector<16xi32>
          %add3A_354 = arith.constant 176 : i32
          %add3A_355 = arith.addi %mul3A_265, %add3A_354 : i32
          %get3A_356 = arith.index_cast %add3A_355 : i32 to index
          %get3A_357 = tpu.vector_load %arg5[%get3A_356] {strides = array<i32>} : memref<4096xf32, #tpu.memory_space<vmem>>, vector<16xf32>,
          %get3A_358 = vector.shape_cast %get3A_357 : vector<16xf32> to vector<16xf32>
          %ge3A_359 = arith.cmpf oge, %get3A_358, %bitcast_convert_type3A_199 : vector<16xf32>
          %select_n3A_360 = arith.select %ge3A_359, %broadcast_in_dim3A_5, %broadcast_in_dim3A_7 : vector<16xi1>, vector<16xi32>
          %add3A_361 = arith.addi %add3A_329, %select_n3A_360 : vector<16xi32>
          %add3A_362 = arith.constant 192 : i32
          %add3A_363 = arith.addi %mul3A_265, %add3A_362 : i32
          %get3A_364 = arith.index_cast %add3A_363 : i32 to index
          %get3A_365 = tpu.vector_load %arg5[%get3A_364] {strides = array<i32>} : memref<4096xf32, #tpu.memory_space<vmem>>, vector<16xf32>,
          %get3A_366 = vector.shape_cast %get3A_365 : vector<16xf32> to vector<16xf32>
          %ge3A_367 = arith.cmpf oge, %get3A_366, %bitcast_convert_type3A_199 : vector<16xf32>
          %select_n3A_368 = arith.select %ge3A_367, %broadcast_in_dim3A_5, %broadcast_in_dim3A_7 : vector<16xi1>, vector<16xi32>
          %add3A_369 = arith.addi %add3A_337, %select_n3A_368 : vector<16xi32>
          %add3A_370 = arith.constant 208 : i32
          %add3A_371 = arith.addi %mul3A_265, %add3A_370 : i32
          %get3A_372 = arith.index_cast %add3A_371 : i32 to index
          %get3A_373 = tpu.vector_load %arg5[%get3A_372] {strides = array<i32>} : memref<4096xf32, #tpu.memory_space<vmem>>, vector<16xf32>,
          %get3A_374 = vector.shape_cast %get3A_373 : vector<16xf32> to vector<16xf32>
          %ge3A_375 = arith.cmpf oge, %get3A_374, %bitcast_convert_type3A_199 : vector<16xf32>
          %select_n3A_376 = arith.select %ge3A_375, %broadcast_in_dim3A_5, %broadcast_in_dim3A_7 : vector<16xi1>, vector<16xi32>
          %add3A_377 = arith.addi %add3A_345, %select_n3A_376 : vector<16xi32>
          %add3A_378 = arith.constant 224 : i32
          %add3A_379 = arith.addi %mul3A_265, %add3A_378 : i32
          %get3A_380 = arith.index_cast %add3A_379 : i32 to index
          %get3A_381 = tpu.vector_load %arg5[%get3A_380] {strides = array<i32>} : memref<4096xf32, #tpu.memory_space<vmem>>, vector<16xf32>,
          %get3A_382 = vector.shape_cast %get3A_381 : vector<16xf32> to vector<16xf32>
          %ge3A_383 = arith.cmpf oge, %get3A_382, %bitcast_convert_type3A_199 : vector<16xf32>
          %select_n3A_384 = arith.select %ge3A_383, %broadcast_in_dim3A_5, %broadcast_in_dim3A_7 : vector<16xi1>, vector<16xi32>
          %add3A_385 = arith.addi %add3A_353, %select_n3A_384 : vector<16xi32>
          %add3A_386 = arith.constant 240 : i32
          %add3A_387 = arith.addi %mul3A_265, %add3A_386 : i32
          %get3A_388 = arith.index_cast %add3A_387 : i32 to index
          %get3A_389 = tpu.vector_load %arg5[%get3A_388] {strides = array<i32>} : memref<4096xf32, #tpu.memory_space<vmem>>, vector<16xf32>,
          %get3A_390 = vector.shape_cast %get3A_389 : vector<16xf32> to vector<16xf32>
          %ge3A_391 = arith.cmpf oge, %get3A_390, %bitcast_convert_type3A_199 : vector<16xf32>
          %select_n3A_392 = arith.select %ge3A_391, %broadcast_in_dim3A_5, %broadcast_in_dim3A_7 : vector<16xi1>, vector<16xi32>
          %add3A_393 = arith.addi %add3A_361, %select_n3A_392 : vector<16xi32>
          scf.yield %add3A_369, %add3A_377, %add3A_385, %add3A_393 : vector<16xi32>, vector<16xi32>, vector<16xi32>, vector<16xi32>
        }
        %scan3A_205 = arith.constant 16 : i32
        %add3A_206 = arith.addi %scan3A_204#0, %scan3A_204#1 : vector<16xi32>
        %add3A_207 = arith.addi %scan3A_204#2, %scan3A_204#3 : vector<16xi32>
        %add3A_208 = arith.addi %add3A_206, %add3A_207 : vector<16xi32>
        %swap3A_209 = arith.constant 0 : index
        %swap3A_210 = tpu.vector_load %arg9[%swap3A_209] {strides = array<i32>} : memref<32xi32, #tpu.memory_space<vmem>>, vector<16xi32>,
        %swap3A_211 = vector.shape_cast %swap3A_210 : vector<16xi32> to vector<16xi32>
        %swap3A_212 = vector.shape_cast %add3A_208 : vector<16xi32> to vector<16xi32>
        tpu.vector_store %arg9[%swap3A_209], %swap3A_212 {strides = array<i32>} : memref<32xi32, #tpu.memory_space<vmem>>, vector<16xi32>,
        %swap3A_213 = arith.constant 16 : index
        %swap3A_214 = tpu.vector_load %arg9[%swap3A_213] {strides = array<i32>} : memref<32xi32, #tpu.memory_space<vmem>>, vector<16xi32>,
        %swap3A_215 = vector.shape_cast %swap3A_214 : vector<16xi32> to vector<16xi32>
        %swap3A_216 = vector.shape_cast %add3A_208 : vector<16xi32> to vector<16xi32>
        tpu.vector_store %arg9[%swap3A_213], %swap3A_216 {strides = array<i32>} : memref<32xi32, #tpu.memory_space<vmem>>, vector<16xi32>,
        %get3A_217 = arith.constant 1 : index
        %get3A_218 = tpu.vector_load %arg9[%get3A_217] {strides = array<i32>} : memref<32xi32, #tpu.memory_space<vmem>>, vector<16xi32>,
        %get3A_219 = vector.shape_cast %get3A_218 : vector<16xi32> to vector<16xi32>
        %add3A_220 = arith.addi %add3A_208, %get3A_219 : vector<16xi32>
        %swap3A_221 = arith.constant 0 : index
        %swap3A_222 = tpu.vector_load %arg9[%swap3A_221] {strides = array<i32>} : memref<32xi32, #tpu.memory_space<vmem>>, vector<16xi32>,
        %swap3A_223 = vector.shape_cast %swap3A_222 : vector<16xi32> to vector<16xi32>
        %swap3A_224 = vector.shape_cast %add3A_220 : vector<16xi32> to vector<16xi32>
        tpu.vector_store %arg9[%swap3A_221], %swap3A_224 {strides = array<i32>} : memref<32xi32, #tpu.memory_space<vmem>>, vector<16xi32>,
        %swap3A_225 = arith.constant 16 : index
        %swap3A_226 = tpu.vector_load %arg9[%swap3A_225] {strides = array<i32>} : memref<32xi32, #tpu.memory_space<vmem>>, vector<16xi32>,
        %swap3A_227 = vector.shape_cast %swap3A_226 : vector<16xi32> to vector<16xi32>
        %swap3A_228 = vector.shape_cast %add3A_220 : vector<16xi32> to vector<16xi32>
        tpu.vector_store %arg9[%swap3A_225], %swap3A_228 {strides = array<i32>} : memref<32xi32, #tpu.memory_space<vmem>>, vector<16xi32>,
        %get3A_229 = arith.constant 2 : index
        %get3A_230 = tpu.vector_load %arg9[%get3A_229] {strides = array<i32>} : memref<32xi32, #tpu.memory_space<vmem>>, vector<16xi32>,
        %get3A_231 = vector.shape_cast %get3A_230 : vector<16xi32> to vector<16xi32>
        %add3A_232 = arith.addi %add3A_220, %get3A_231 : vector<16xi32>
        %swap3A_233 = arith.constant 0 : index
        %swap3A_234 = tpu.vector_load %arg9[%swap3A_233] {strides = array<i32>} : memref<32xi32, #tpu.memory_space<vmem>>, vector<16xi32>,
        %swap3A_235 = vector.shape_cast %swap3A_234 : vector<16xi32> to vector<16xi32>
        %swap3A_236 = vector.shape_cast %add3A_232 : vector<16xi32> to vector<16xi32>
        tpu.vector_store %arg9[%swap3A_233], %swap3A_236 {strides = array<i32>} : memref<32xi32, #tpu.memory_space<vmem>>, vector<16xi32>,
        %swap3A_237 = arith.constant 16 : index
        %swap3A_238 = tpu.vector_load %arg9[%swap3A_237] {strides = array<i32>} : memref<32xi32, #tpu.memory_space<vmem>>, vector<16xi32>,
        %swap3A_239 = vector.shape_cast %swap3A_238 : vector<16xi32> to vector<16xi32>
        %swap3A_240 = vector.shape_cast %add3A_232 : vector<16xi32> to vector<16xi32>
        tpu.vector_store %arg9[%swap3A_237], %swap3A_240 {strides = array<i32>} : memref<32xi32, #tpu.memory_space<vmem>>, vector<16xi32>,
        %get3A_241 = arith.constant 4 : index
        %get3A_242 = tpu.vector_load %arg9[%get3A_241] {strides = array<i32>} : memref<32xi32, #tpu.memory_space<vmem>>, vector<16xi32>,
        %get3A_243 = vector.shape_cast %get3A_242 : vector<16xi32> to vector<16xi32>
        %add3A_244 = arith.addi %add3A_232, %get3A_243 : vector<16xi32>
        %swap3A_245 = arith.constant 0 : index
        %swap3A_246 = tpu.vector_load %arg9[%swap3A_245] {strides = array<i32>} : memref<32xi32, #tpu.memory_space<vmem>>, vector<16xi32>,
        %swap3A_247 = vector.shape_cast %swap3A_246 : vector<16xi32> to vector<16xi32>
        %swap3A_248 = vector.shape_cast %add3A_244 : vector<16xi32> to vector<16xi32>
        tpu.vector_store %arg9[%swap3A_245], %swap3A_248 {strides = array<i32>} : memref<32xi32, #tpu.memory_space<vmem>>, vector<16xi32>,
        %swap3A_249 = arith.constant 16 : index
        %swap3A_250 = tpu.vector_load %arg9[%swap3A_249] {strides = array<i32>} : memref<32xi32, #tpu.memory_space<vmem>>, vector<16xi32>,
        %swap3A_251 = vector.shape_cast %swap3A_250 : vector<16xi32> to vector<16xi32>
        %swap3A_252 = vector.shape_cast %add3A_244 : vector<16xi32> to vector<16xi32>
        tpu.vector_store %arg9[%swap3A_249], %swap3A_252 {strides = array<i32>} : memref<32xi32, #tpu.memory_space<vmem>>, vector<16xi32>,
        %get3A_253 = arith.constant 8 : index
        %get3A_254 = tpu.vector_load %arg9[%get3A_253] {strides = array<i32>} : memref<32xi32, #tpu.memory_space<vmem>>, vector<16xi32>,
        %get3A_255 = vector.shape_cast %get3A_254 : vector<16xi32> to vector<16xi32>
        %add3A_256 = arith.addi %add3A_244, %get3A_255 : vector<16xi32>
        %ge3A = arith.cmpi sge, %add3A_256, %add3A_63 : vector<16xi32>
        %select_n3A_257 = arith.select %ge3A, %shift_right_arithmetic3A_198, %scan3A_193 : vector<16xi1>, vector<16xi32>
        %select_n3A_258 = arith.select %ge3A, %scan3A_194, %shift_right_arithmetic3A_198 : vector<16xi1>, vector<16xi32>
        scf.yield %select_n3A_257, %select_n3A_258 : vector<16xi32>, vector<16xi32>
      }
      %scan3A_79 = arith.constant 31 : i32
      %bitcast_convert_type3A = tpu.bitcast %scan3A_78#0 : vector<16xi32> -> vector<16xf32>
      %broadcast_in_dim3A_80 = arith.constant 0.000000e+00 : f32
      %broadcast_in_dim3A_81 = vector.broadcast %broadcast_in_dim3A_80 : f32 to vector<16xf32>
      %scan3A_82 = arith.constant 0 : i32
      %scan3A_83 = arith.constant 16 : i32
      %scan3A_84 = arith.addi %scan3A_82, %scan3A_83 : i32
      %scan3A_85 = arith.constant 1 : i32
      %scan3A_86:2 = scf.for %scan3A_192 = %scan3A_82 to %scan3A_84 step %scan3A_85 iter_args(%scan3A_193 = %broadcast_in_dim3A_7, %scan3A_194 = %broadcast_in_dim3A_81) -> (vector<16xi32>, vector<16xf32>)  : i32 {
        %mul3A_195 = arith.constant 256 : i32
        %mul3A_196 = arith.muli %scan3A_192, %mul3A_195 : i32
        %add3A_197 = arith.constant 0 : i32
        %add3A_198 = arith.addi %mul3A_196, %add3A_197 : i32
        %get3A_199 = arith.index_cast %add3A_198 : i32 to index
        %get3A_200 = tpu.vector_load %arg5[%get3A_199] {strides = array<i32>} : memref<4096xf32, #tpu.memory_space<vmem>>, vector<16xf32>,
        %get3A_201 = vector.shape_cast %get3A_200 : vector<16xf32> to vector<16xf32>
        %gt3A = arith.cmpf ogt, %get3A_201, %bitcast_convert_type3A : vector<16xf32>
        %select_n3A_202 = arith.select %gt3A, %broadcast_in_dim3A_5, %broadcast_in_dim3A_7 : vector<16xi1>, vector<16xi32>
        %add3A_203 = arith.addi %scan3A_193, %select_n3A_202 : vector<16xi32>
        %jit3A_204 = arith.constant 0.000000e+00 : f32
        %broadcast_in_dim3A_205 = vector.broadcast %jit3A_204 : f32 to vector<16xf32>
        %select_n3A_206 = arith.select %gt3A, %get3A_201, %broadcast_in_dim3A_205 : vector<16xi1>, vector<16xf32>
        %add3A_207 = arith.addf %scan3A_194, %select_n3A_206 : vector<16xf32>
        %add3A_208 = arith.constant 16 : i32
        %add3A_209 = arith.addi %mul3A_196, %add3A_208 : i32
        %get3A_210 = arith.index_cast %add3A_209 : i32 to index
        %get3A_211 = tpu.vector_load %arg5[%get3A_210] {strides = array<i32>} : memref<4096xf32, #tpu.memory_space<vmem>>, vector<16xf32>,
        %get3A_212 = vector.shape_cast %get3A_211 : vector<16xf32> to vector<16xf32>
        %gt3A_213 = arith.cmpf ogt, %get3A_212, %bitcast_convert_type3A : vector<16xf32>
        %select_n3A_214 = arith.select %gt3A_213, %broadcast_in_dim3A_5, %broadcast_in_dim3A_7 : vector<16xi1>, vector<16xi32>
        %add3A_215 = arith.addi %add3A_203, %select_n3A_214 : vector<16xi32>
        %jit3A_216 = arith.constant 0.000000e+00 : f32
        %broadcast_in_dim3A_217 = vector.broadcast %jit3A_216 : f32 to vector<16xf32>
        %select_n3A_218 = arith.select %gt3A_213, %get3A_212, %broadcast_in_dim3A_217 : vector<16xi1>, vector<16xf32>
        %add3A_219 = arith.addf %add3A_207, %select_n3A_218 : vector<16xf32>
        %add3A_220 = arith.constant 32 : i32
        %add3A_221 = arith.addi %mul3A_196, %add3A_220 : i32
        %get3A_222 = arith.index_cast %add3A_221 : i32 to index
        %get3A_223 = tpu.vector_load %arg5[%get3A_222] {strides = array<i32>} : memref<4096xf32, #tpu.memory_space<vmem>>, vector<16xf32>,
        %get3A_224 = vector.shape_cast %get3A_223 : vector<16xf32> to vector<16xf32>
        %gt3A_225 = arith.cmpf ogt, %get3A_224, %bitcast_convert_type3A : vector<16xf32>
        %select_n3A_226 = arith.select %gt3A_225, %broadcast_in_dim3A_5, %broadcast_in_dim3A_7 : vector<16xi1>, vector<16xi32>
        %add3A_227 = arith.addi %add3A_215, %select_n3A_226 : vector<16xi32>
        %jit3A_228 = arith.constant 0.000000e+00 : f32
        %broadcast_in_dim3A_229 = vector.broadcast %jit3A_228 : f32 to vector<16xf32>
        %select_n3A_230 = arith.select %gt3A_225, %get3A_224, %broadcast_in_dim3A_229 : vector<16xi1>, vector<16xf32>
        %add3A_231 = arith.addf %add3A_219, %select_n3A_230 : vector<16xf32>
        %add3A_232 = arith.constant 48 : i32
        %add3A_233 = arith.addi %mul3A_196, %add3A_232 : i32
        %get3A_234 = arith.index_cast %add3A_233 : i32 to index
        %get3A_235 = tpu.vector_load %arg5[%get3A_234] {strides = array<i32>} : memref<4096xf32, #tpu.memory_space<vmem>>, vector<16xf32>,
        %get3A_236 = vector.shape_cast %get3A_235 : vector<16xf32> to vector<16xf32>
        %gt3A_237 = arith.cmpf ogt, %get3A_236, %bitcast_convert_type3A : vector<16xf32>
        %select_n3A_238 = arith.select %gt3A_237, %broadcast_in_dim3A_5, %broadcast_in_dim3A_7 : vector<16xi1>, vector<16xi32>
        %add3A_239 = arith.addi %add3A_227, %select_n3A_238 : vector<16xi32>
        %jit3A_240 = arith.constant 0.000000e+00 : f32
        %broadcast_in_dim3A_241 = vector.broadcast %jit3A_240 : f32 to vector<16xf32>
        %select_n3A_242 = arith.select %gt3A_237, %get3A_236, %broadcast_in_dim3A_241 : vector<16xi1>, vector<16xf32>
        %add3A_243 = arith.addf %add3A_231, %select_n3A_242 : vector<16xf32>
        %add3A_244 = arith.constant 64 : i32
        %add3A_245 = arith.addi %mul3A_196, %add3A_244 : i32
        %get3A_246 = arith.index_cast %add3A_245 : i32 to index
        %get3A_247 = tpu.vector_load %arg5[%get3A_246] {strides = array<i32>} : memref<4096xf32, #tpu.memory_space<vmem>>, vector<16xf32>,
        %get3A_248 = vector.shape_cast %get3A_247 : vector<16xf32> to vector<16xf32>
        %gt3A_249 = arith.cmpf ogt, %get3A_248, %bitcast_convert_type3A : vector<16xf32>
        %select_n3A_250 = arith.select %gt3A_249, %broadcast_in_dim3A_5, %broadcast_in_dim3A_7 : vector<16xi1>, vector<16xi32>
        %add3A_251 = arith.addi %add3A_239, %select_n3A_250 : vector<16xi32>
        %jit3A_252 = arith.constant 0.000000e+00 : f32
        %broadcast_in_dim3A_253 = vector.broadcast %jit3A_252 : f32 to vector<16xf32>
        %select_n3A_254 = arith.select %gt3A_249, %get3A_248, %broadcast_in_dim3A_253 : vector<16xi1>, vector<16xf32>
        %add3A_255 = arith.addf %add3A_243, %select_n3A_254 : vector<16xf32>
        %add3A_256 = arith.constant 80 : i32
        %add3A_257 = arith.addi %mul3A_196, %add3A_256 : i32
        %get3A_258 = arith.index_cast %add3A_257 : i32 to index
        %get3A_259 = tpu.vector_load %arg5[%get3A_258] {strides = array<i32>} : memref<4096xf32, #tpu.memory_space<vmem>>, vector<16xf32>,
        %get3A_260 = vector.shape_cast %get3A_259 : vector<16xf32> to vector<16xf32>
        %gt3A_261 = arith.cmpf ogt, %get3A_260, %bitcast_convert_type3A : vector<16xf32>
        %select_n3A_262 = arith.select %gt3A_261, %broadcast_in_dim3A_5, %broadcast_in_dim3A_7 : vector<16xi1>, vector<16xi32>
        %add3A_263 = arith.addi %add3A_251, %select_n3A_262 : vector<16xi32>
        %jit3A_264 = arith.constant 0.000000e+00 : f32
        %broadcast_in_dim3A_265 = vector.broadcast %jit3A_264 : f32 to vector<16xf32>
        %select_n3A_266 = arith.select %gt3A_261, %get3A_260, %broadcast_in_dim3A_265 : vector<16xi1>, vector<16xf32>
        %add3A_267 = arith.addf %add3A_255, %select_n3A_266 : vector<16xf32>
        %add3A_268 = arith.constant 96 : i32
        %add3A_269 = arith.addi %mul3A_196, %add3A_268 : i32
        %get3A_270 = arith.index_cast %add3A_269 : i32 to index
        %get3A_271 = tpu.vector_load %arg5[%get3A_270] {strides = array<i32>} : memref<4096xf32, #tpu.memory_space<vmem>>, vector<16xf32>,
        %get3A_272 = vector.shape_cast %get3A_271 : vector<16xf32> to vector<16xf32>
        %gt3A_273 = arith.cmpf ogt, %get3A_272, %bitcast_convert_type3A : vector<16xf32>
        %select_n3A_274 = arith.select %gt3A_273, %broadcast_in_dim3A_5, %broadcast_in_dim3A_7 : vector<16xi1>, vector<16xi32>
        %add3A_275 = arith.addi %add3A_263, %select_n3A_274 : vector<16xi32>
        %jit3A_276 = arith.constant 0.000000e+00 : f32
        %broadcast_in_dim3A_277 = vector.broadcast %jit3A_276 : f32 to vector<16xf32>
        %select_n3A_278 = arith.select %gt3A_273, %get3A_272, %broadcast_in_dim3A_277 : vector<16xi1>, vector<16xf32>
        %add3A_279 = arith.addf %add3A_267, %select_n3A_278 : vector<16xf32>
        %add3A_280 = arith.constant 112 : i32
        %add3A_281 = arith.addi %mul3A_196, %add3A_280 : i32
        %get3A_282 = arith.index_cast %add3A_281 : i32 to index
        %get3A_283 = tpu.vector_load %arg5[%get3A_282] {strides = array<i32>} : memref<4096xf32, #tpu.memory_space<vmem>>, vector<16xf32>,
        %get3A_284 = vector.shape_cast %get3A_283 : vector<16xf32> to vector<16xf32>
        %gt3A_285 = arith.cmpf ogt, %get3A_284, %bitcast_convert_type3A : vector<16xf32>
        %select_n3A_286 = arith.select %gt3A_285, %broadcast_in_dim3A_5, %broadcast_in_dim3A_7 : vector<16xi1>, vector<16xi32>
        %add3A_287 = arith.addi %add3A_275, %select_n3A_286 : vector<16xi32>
        %jit3A_288 = arith.constant 0.000000e+00 : f32
        %broadcast_in_dim3A_289 = vector.broadcast %jit3A_288 : f32 to vector<16xf32>
        %select_n3A_290 = arith.select %gt3A_285, %get3A_284, %broadcast_in_dim3A_289 : vector<16xi1>, vector<16xf32>
        %add3A_291 = arith.addf %add3A_279, %select_n3A_290 : vector<16xf32>
        %add3A_292 = arith.constant 128 : i32
        %add3A_293 = arith.addi %mul3A_196, %add3A_292 : i32
        %get3A_294 = arith.index_cast %add3A_293 : i32 to index
        %get3A_295 = tpu.vector_load %arg5[%get3A_294] {strides = array<i32>} : memref<4096xf32, #tpu.memory_space<vmem>>, vector<16xf32>,
        %get3A_296 = vector.shape_cast %get3A_295 : vector<16xf32> to vector<16xf32>
        %gt3A_297 = arith.cmpf ogt, %get3A_296, %bitcast_convert_type3A : vector<16xf32>
        %select_n3A_298 = arith.select %gt3A_297, %broadcast_in_dim3A_5, %broadcast_in_dim3A_7 : vector<16xi1>, vector<16xi32>
        %add3A_299 = arith.addi %add3A_287, %select_n3A_298 : vector<16xi32>
        %jit3A_300 = arith.constant 0.000000e+00 : f32
        %broadcast_in_dim3A_301 = vector.broadcast %jit3A_300 : f32 to vector<16xf32>
        %select_n3A_302 = arith.select %gt3A_297, %get3A_296, %broadcast_in_dim3A_301 : vector<16xi1>, vector<16xf32>
        %add3A_303 = arith.addf %add3A_291, %select_n3A_302 : vector<16xf32>
        %add3A_304 = arith.constant 144 : i32
        %add3A_305 = arith.addi %mul3A_196, %add3A_304 : i32
        %get3A_306 = arith.index_cast %add3A_305 : i32 to index
        %get3A_307 = tpu.vector_load %arg5[%get3A_306] {strides = array<i32>} : memref<4096xf32, #tpu.memory_space<vmem>>, vector<16xf32>,
        %get3A_308 = vector.shape_cast %get3A_307 : vector<16xf32> to vector<16xf32>
        %gt3A_309 = arith.cmpf ogt, %get3A_308, %bitcast_convert_type3A : vector<16xf32>
        %select_n3A_310 = arith.select %gt3A_309, %broadcast_in_dim3A_5, %broadcast_in_dim3A_7 : vector<16xi1>, vector<16xi32>
        %add3A_311 = arith.addi %add3A_299, %select_n3A_310 : vector<16xi32>
        %jit3A_312 = arith.constant 0.000000e+00 : f32
        %broadcast_in_dim3A_313 = vector.broadcast %jit3A_312 : f32 to vector<16xf32>
        %select_n3A_314 = arith.select %gt3A_309, %get3A_308, %broadcast_in_dim3A_313 : vector<16xi1>, vector<16xf32>
        %add3A_315 = arith.addf %add3A_303, %select_n3A_314 : vector<16xf32>
        %add3A_316 = arith.constant 160 : i32
        %add3A_317 = arith.addi %mul3A_196, %add3A_316 : i32
        %get3A_318 = arith.index_cast %add3A_317 : i32 to index
        %get3A_319 = tpu.vector_load %arg5[%get3A_318] {strides = array<i32>} : memref<4096xf32, #tpu.memory_space<vmem>>, vector<16xf32>,
        %get3A_320 = vector.shape_cast %get3A_319 : vector<16xf32> to vector<16xf32>
        %gt3A_321 = arith.cmpf ogt, %get3A_320, %bitcast_convert_type3A : vector<16xf32>
        %select_n3A_322 = arith.select %gt3A_321, %broadcast_in_dim3A_5, %broadcast_in_dim3A_7 : vector<16xi1>, vector<16xi32>
        %add3A_323 = arith.addi %add3A_311, %select_n3A_322 : vector<16xi32>
        %jit3A_324 = arith.constant 0.000000e+00 : f32
        %broadcast_in_dim3A_325 = vector.broadcast %jit3A_324 : f32 to vector<16xf32>
        %select_n3A_326 = arith.select %gt3A_321, %get3A_320, %broadcast_in_dim3A_325 : vector<16xi1>, vector<16xf32>
        %add3A_327 = arith.addf %add3A_315, %select_n3A_326 : vector<16xf32>
        %add3A_328 = arith.constant 176 : i32
        %add3A_329 = arith.addi %mul3A_196, %add3A_328 : i32
        %get3A_330 = arith.index_cast %add3A_329 : i32 to index
        %get3A_331 = tpu.vector_load %arg5[%get3A_330] {strides = array<i32>} : memref<4096xf32, #tpu.memory_space<vmem>>, vector<16xf32>,
        %get3A_332 = vector.shape_cast %get3A_331 : vector<16xf32> to vector<16xf32>
        %gt3A_333 = arith.cmpf ogt, %get3A_332, %bitcast_convert_type3A : vector<16xf32>
        %select_n3A_334 = arith.select %gt3A_333, %broadcast_in_dim3A_5, %broadcast_in_dim3A_7 : vector<16xi1>, vector<16xi32>
        %add3A_335 = arith.addi %add3A_323, %select_n3A_334 : vector<16xi32>
        %jit3A_336 = arith.constant 0.000000e+00 : f32
        %broadcast_in_dim3A_337 = vector.broadcast %jit3A_336 : f32 to vector<16xf32>
        %select_n3A_338 = arith.select %gt3A_333, %get3A_332, %broadcast_in_dim3A_337 : vector<16xi1>, vector<16xf32>
        %add3A_339 = arith.addf %add3A_327, %select_n3A_338 : vector<16xf32>
        %add3A_340 = arith.constant 192 : i32
        %add3A_341 = arith.addi %mul3A_196, %add3A_340 : i32
        %get3A_342 = arith.index_cast %add3A_341 : i32 to index
        %get3A_343 = tpu.vector_load %arg5[%get3A_342] {strides = array<i32>} : memref<4096xf32, #tpu.memory_space<vmem>>, vector<16xf32>,
        %get3A_344 = vector.shape_cast %get3A_343 : vector<16xf32> to vector<16xf32>
        %gt3A_345 = arith.cmpf ogt, %get3A_344, %bitcast_convert_type3A : vector<16xf32>
        %select_n3A_346 = arith.select %gt3A_345, %broadcast_in_dim3A_5, %broadcast_in_dim3A_7 : vector<16xi1>, vector<16xi32>
        %add3A_347 = arith.addi %add3A_335, %select_n3A_346 : vector<16xi32>
        %jit3A_348 = arith.constant 0.000000e+00 : f32
        %broadcast_in_dim3A_349 = vector.broadcast %jit3A_348 : f32 to vector<16xf32>
        %select_n3A_350 = arith.select %gt3A_345, %get3A_344, %broadcast_in_dim3A_349 : vector<16xi1>, vector<16xf32>
        %add3A_351 = arith.addf %add3A_339, %select_n3A_350 : vector<16xf32>
        %add3A_352 = arith.constant 208 : i32
        %add3A_353 = arith.addi %mul3A_196, %add3A_352 : i32
        %get3A_354 = arith.index_cast %add3A_353 : i32 to index
        %get3A_355 = tpu.vector_load %arg5[%get3A_354] {strides = array<i32>} : memref<4096xf32, #tpu.memory_space<vmem>>, vector<16xf32>,
        %get3A_356 = vector.shape_cast %get3A_355 : vector<16xf32> to vector<16xf32>
        %gt3A_357 = arith.cmpf ogt, %get3A_356, %bitcast_convert_type3A : vector<16xf32>
        %select_n3A_358 = arith.select %gt3A_357, %broadcast_in_dim3A_5, %broadcast_in_dim3A_7 : vector<16xi1>, vector<16xi32>
        %add3A_359 = arith.addi %add3A_347, %select_n3A_358 : vector<16xi32>
        %jit3A_360 = arith.constant 0.000000e+00 : f32
        %broadcast_in_dim3A_361 = vector.broadcast %jit3A_360 : f32 to vector<16xf32>
        %select_n3A_362 = arith.select %gt3A_357, %get3A_356, %broadcast_in_dim3A_361 : vector<16xi1>, vector<16xf32>
        %add3A_363 = arith.addf %add3A_351, %select_n3A_362 : vector<16xf32>
        %add3A_364 = arith.constant 224 : i32
        %add3A_365 = arith.addi %mul3A_196, %add3A_364 : i32
        %get3A_366 = arith.index_cast %add3A_365 : i32 to index
        %get3A_367 = tpu.vector_load %arg5[%get3A_366] {strides = array<i32>} : memref<4096xf32, #tpu.memory_space<vmem>>, vector<16xf32>,
        %get3A_368 = vector.shape_cast %get3A_367 : vector<16xf32> to vector<16xf32>
        %gt3A_369 = arith.cmpf ogt, %get3A_368, %bitcast_convert_type3A : vector<16xf32>
        %select_n3A_370 = arith.select %gt3A_369, %broadcast_in_dim3A_5, %broadcast_in_dim3A_7 : vector<16xi1>, vector<16xi32>
        %add3A_371 = arith.addi %add3A_359, %select_n3A_370 : vector<16xi32>
        %jit3A_372 = arith.constant 0.000000e+00 : f32
        %broadcast_in_dim3A_373 = vector.broadcast %jit3A_372 : f32 to vector<16xf32>
        %select_n3A_374 = arith.select %gt3A_369, %get3A_368, %broadcast_in_dim3A_373 : vector<16xi1>, vector<16xf32>
        %add3A_375 = arith.addf %add3A_363, %select_n3A_374 : vector<16xf32>
        %add3A_376 = arith.constant 240 : i32
        %add3A_377 = arith.addi %mul3A_196, %add3A_376 : i32
        %get3A_378 = arith.index_cast %add3A_377 : i32 to index
        %get3A_379 = tpu.vector_load %arg5[%get3A_378] {strides = array<i32>} : memref<4096xf32, #tpu.memory_space<vmem>>, vector<16xf32>,
        %get3A_380 = vector.shape_cast %get3A_379 : vector<16xf32> to vector<16xf32>
        %gt3A_381 = arith.cmpf ogt, %get3A_380, %bitcast_convert_type3A : vector<16xf32>
        %select_n3A_382 = arith.select %gt3A_381, %broadcast_in_dim3A_5, %broadcast_in_dim3A_7 : vector<16xi1>, vector<16xi32>
        %add3A_383 = arith.addi %add3A_371, %select_n3A_382 : vector<16xi32>
        %jit3A_384 = arith.constant 0.000000e+00 : f32
        %broadcast_in_dim3A_385 = vector.broadcast %jit3A_384 : f32 to vector<16xf32>
        %select_n3A_386 = arith.select %gt3A_381, %get3A_380, %broadcast_in_dim3A_385 : vector<16xi1>, vector<16xf32>
        %add3A_387 = arith.addf %add3A_375, %select_n3A_386 : vector<16xf32>
        scf.yield %add3A_383, %add3A_387 : vector<16xi32>, vector<16xf32>
      }
      %scan3A_87 = arith.constant 16 : i32
      %swap3A_88 = arith.constant 0 : index
      %swap3A_89 = tpu.vector_load %arg9[%swap3A_88] {strides = array<i32>} : memref<32xi32, #tpu.memory_space<vmem>>, vector<16xi32>,
      %swap3A_90 = vector.shape_cast %swap3A_89 : vector<16xi32> to vector<16xi32>
      %swap3A_91 = vector.shape_cast %scan3A_86#0 : vector<16xi32> to vector<16xi32>
      tpu.vector_store %arg9[%swap3A_88], %swap3A_91 {strides = array<i32>} : memref<32xi32, #tpu.memory_space<vmem>>, vector<16xi32>,
      %swap3A_92 = arith.constant 16 : index
      %swap3A_93 = tpu.vector_load %arg9[%swap3A_92] {strides = array<i32>} : memref<32xi32, #tpu.memory_space<vmem>>, vector<16xi32>,
      %swap3A_94 = vector.shape_cast %swap3A_93 : vector<16xi32> to vector<16xi32>
      %swap3A_95 = vector.shape_cast %scan3A_86#0 : vector<16xi32> to vector<16xi32>
      tpu.vector_store %arg9[%swap3A_92], %swap3A_95 {strides = array<i32>} : memref<32xi32, #tpu.memory_space<vmem>>, vector<16xi32>,
      %get3A_96 = arith.constant 1 : index
      %get3A_97 = tpu.vector_load %arg9[%get3A_96] {strides = array<i32>} : memref<32xi32, #tpu.memory_space<vmem>>, vector<16xi32>,
      %get3A_98 = vector.shape_cast %get3A_97 : vector<16xi32> to vector<16xi32>
      %add3A_99 = arith.addi %scan3A_86#0, %get3A_98 : vector<16xi32>
      %swap3A_100 = arith.constant 0 : index
      %swap3A_101 = tpu.vector_load %arg9[%swap3A_100] {strides = array<i32>} : memref<32xi32, #tpu.memory_space<vmem>>, vector<16xi32>,
      %swap3A_102 = vector.shape_cast %swap3A_101 : vector<16xi32> to vector<16xi32>
      %swap3A_103 = vector.shape_cast %add3A_99 : vector<16xi32> to vector<16xi32>
      tpu.vector_store %arg9[%swap3A_100], %swap3A_103 {strides = array<i32>} : memref<32xi32, #tpu.memory_space<vmem>>, vector<16xi32>,
      %swap3A_104 = arith.constant 16 : index
      %swap3A_105 = tpu.vector_load %arg9[%swap3A_104] {strides = array<i32>} : memref<32xi32, #tpu.memory_space<vmem>>, vector<16xi32>,
      %swap3A_106 = vector.shape_cast %swap3A_105 : vector<16xi32> to vector<16xi32>
      %swap3A_107 = vector.shape_cast %add3A_99 : vector<16xi32> to vector<16xi32>
      tpu.vector_store %arg9[%swap3A_104], %swap3A_107 {strides = array<i32>} : memref<32xi32, #tpu.memory_space<vmem>>, vector<16xi32>,
      %get3A_108 = arith.constant 2 : index
      %get3A_109 = tpu.vector_load %arg9[%get3A_108] {strides = array<i32>} : memref<32xi32, #tpu.memory_space<vmem>>, vector<16xi32>,
      %get3A_110 = vector.shape_cast %get3A_109 : vector<16xi32> to vector<16xi32>
      %add3A_111 = arith.addi %add3A_99, %get3A_110 : vector<16xi32>
      %swap3A_112 = arith.constant 0 : index
      %swap3A_113 = tpu.vector_load %arg9[%swap3A_112] {strides = array<i32>} : memref<32xi32, #tpu.memory_space<vmem>>, vector<16xi32>,
      %swap3A_114 = vector.shape_cast %swap3A_113 : vector<16xi32> to vector<16xi32>
      %swap3A_115 = vector.shape_cast %add3A_111 : vector<16xi32> to vector<16xi32>
      tpu.vector_store %arg9[%swap3A_112], %swap3A_115 {strides = array<i32>} : memref<32xi32, #tpu.memory_space<vmem>>, vector<16xi32>,
      %swap3A_116 = arith.constant 16 : index
      %swap3A_117 = tpu.vector_load %arg9[%swap3A_116] {strides = array<i32>} : memref<32xi32, #tpu.memory_space<vmem>>, vector<16xi32>,
      %swap3A_118 = vector.shape_cast %swap3A_117 : vector<16xi32> to vector<16xi32>
      %swap3A_119 = vector.shape_cast %add3A_111 : vector<16xi32> to vector<16xi32>
      tpu.vector_store %arg9[%swap3A_116], %swap3A_119 {strides = array<i32>} : memref<32xi32, #tpu.memory_space<vmem>>, vector<16xi32>,
      %get3A_120 = arith.constant 4 : index
      %get3A_121 = tpu.vector_load %arg9[%get3A_120] {strides = array<i32>} : memref<32xi32, #tpu.memory_space<vmem>>, vector<16xi32>,
      %get3A_122 = vector.shape_cast %get3A_121 : vector<16xi32> to vector<16xi32>
      %add3A_123 = arith.addi %add3A_111, %get3A_122 : vector<16xi32>
      %swap3A_124 = arith.constant 0 : index
      %swap3A_125 = tpu.vector_load %arg9[%swap3A_124] {strides = array<i32>} : memref<32xi32, #tpu.memory_space<vmem>>, vector<16xi32>,
      %swap3A_126 = vector.shape_cast %swap3A_125 : vector<16xi32> to vector<16xi32>
      %swap3A_127 = vector.shape_cast %add3A_123 : vector<16xi32> to vector<16xi32>
      tpu.vector_store %arg9[%swap3A_124], %swap3A_127 {strides = array<i32>} : memref<32xi32, #tpu.memory_space<vmem>>, vector<16xi32>,
      %swap3A_128 = arith.constant 16 : index
      %swap3A_129 = tpu.vector_load %arg9[%swap3A_128] {strides = array<i32>} : memref<32xi32, #tpu.memory_space<vmem>>, vector<16xi32>,
      %swap3A_130 = vector.shape_cast %swap3A_129 : vector<16xi32> to vector<16xi32>
      %swap3A_131 = vector.shape_cast %add3A_123 : vector<16xi32> to vector<16xi32>
      tpu.vector_store %arg9[%swap3A_128], %swap3A_131 {strides = array<i32>} : memref<32xi32, #tpu.memory_space<vmem>>, vector<16xi32>,
      %get3A_132 = arith.constant 8 : index
      %get3A_133 = tpu.vector_load %arg9[%get3A_132] {strides = array<i32>} : memref<32xi32, #tpu.memory_space<vmem>>, vector<16xi32>,
      %get3A_134 = vector.shape_cast %get3A_133 : vector<16xi32> to vector<16xi32>
      %add3A_135 = arith.addi %add3A_123, %get3A_134 : vector<16xi32>
      %swap3A_136 = arith.constant 0 : index
      %swap3A_137 = tpu.vector_load %arg8[%swap3A_136] {strides = array<i32>} : memref<32xf32, #tpu.memory_space<vmem>>, vector<16xf32>,
      %swap3A_138 = vector.shape_cast %swap3A_137 : vector<16xf32> to vector<16xf32>
      %swap3A_139 = vector.shape_cast %scan3A_86#1 : vector<16xf32> to vector<16xf32>
      tpu.vector_store %arg8[%swap3A_136], %swap3A_139 {strides = array<i32>} : memref<32xf32, #tpu.memory_space<vmem>>, vector<16xf32>,
      %swap3A_140 = arith.constant 16 : index
      %swap3A_141 = tpu.vector_load %arg8[%swap3A_140] {strides = array<i32>} : memref<32xf32, #tpu.memory_space<vmem>>, vector<16xf32>,
      %swap3A_142 = vector.shape_cast %swap3A_141 : vector<16xf32> to vector<16xf32>
      %swap3A_143 = vector.shape_cast %scan3A_86#1 : vector<16xf32> to vector<16xf32>
      tpu.vector_store %arg8[%swap3A_140], %swap3A_143 {strides = array<i32>} : memref<32xf32, #tpu.memory_space<vmem>>, vector<16xf32>,
      %get3A_144 = arith.constant 1 : index
      %get3A_145 = tpu.vector_load %arg8[%get3A_144] {strides = array<i32>} : memref<32xf32, #tpu.memory_space<vmem>>, vector<16xf32>,
      %get3A_146 = vector.shape_cast %get3A_145 : vector<16xf32> to vector<16xf32>
      %add3A_147 = arith.addf %scan3A_86#1, %get3A_146 : vector<16xf32>
      %swap3A_148 = arith.constant 0 : index
      %swap3A_149 = tpu.vector_load %arg8[%swap3A_148] {strides = array<i32>} : memref<32xf32, #tpu.memory_space<vmem>>, vector<16xf32>,
      %swap3A_150 = vector.shape_cast %swap3A_149 : vector<16xf32> to vector<16xf32>
      %swap3A_151 = vector.shape_cast %add3A_147 : vector<16xf32> to vector<16xf32>
      tpu.vector_store %arg8[%swap3A_148], %swap3A_151 {strides = array<i32>} : memref<32xf32, #tpu.memory_space<vmem>>, vector<16xf32>,
      %swap3A_152 = arith.constant 16 : index
      %swap3A_153 = tpu.vector_load %arg8[%swap3A_152] {strides = array<i32>} : memref<32xf32, #tpu.memory_space<vmem>>, vector<16xf32>,
      %swap3A_154 = vector.shape_cast %swap3A_153 : vector<16xf32> to vector<16xf32>
      %swap3A_155 = vector.shape_cast %add3A_147 : vector<16xf32> to vector<16xf32>
      tpu.vector_store %arg8[%swap3A_152], %swap3A_155 {strides = array<i32>} : memref<32xf32, #tpu.memory_space<vmem>>, vector<16xf32>,
      %get3A_156 = arith.constant 2 : index
      %get3A_157 = tpu.vector_load %arg8[%get3A_156] {strides = array<i32>} : memref<32xf32, #tpu.memory_space<vmem>>, vector<16xf32>,
      %get3A_158 = vector.shape_cast %get3A_157 : vector<16xf32> to vector<16xf32>
      %add3A_159 = arith.addf %add3A_147, %get3A_158 : vector<16xf32>
      %swap3A_160 = arith.constant 0 : index
      %swap3A_161 = tpu.vector_load %arg8[%swap3A_160] {strides = array<i32>} : memref<32xf32, #tpu.memory_space<vmem>>, vector<16xf32>,
      %swap3A_162 = vector.shape_cast %swap3A_161 : vector<16xf32> to vector<16xf32>
      %swap3A_163 = vector.shape_cast %add3A_159 : vector<16xf32> to vector<16xf32>
      tpu.vector_store %arg8[%swap3A_160], %swap3A_163 {strides = array<i32>} : memref<32xf32, #tpu.memory_space<vmem>>, vector<16xf32>,
      %swap3A_164 = arith.constant 16 : index
      %swap3A_165 = tpu.vector_load %arg8[%swap3A_164] {strides = array<i32>} : memref<32xf32, #tpu.memory_space<vmem>>, vector<16xf32>,
      %swap3A_166 = vector.shape_cast %swap3A_165 : vector<16xf32> to vector<16xf32>
      %swap3A_167 = vector.shape_cast %add3A_159 : vector<16xf32> to vector<16xf32>
      tpu.vector_store %arg8[%swap3A_164], %swap3A_167 {strides = array<i32>} : memref<32xf32, #tpu.memory_space<vmem>>, vector<16xf32>,
      %get3A_168 = arith.constant 4 : index
      %get3A_169 = tpu.vector_load %arg8[%get3A_168] {strides = array<i32>} : memref<32xf32, #tpu.memory_space<vmem>>, vector<16xf32>,
      %get3A_170 = vector.shape_cast %get3A_169 : vector<16xf32> to vector<16xf32>
      %add3A_171 = arith.addf %add3A_159, %get3A_170 : vector<16xf32>
      %swap3A_172 = arith.constant 0 : index
      %swap3A_173 = tpu.vector_load %arg8[%swap3A_172] {strides = array<i32>} : memref<32xf32, #tpu.memory_space<vmem>>, vector<16xf32>,
      %swap3A_174 = vector.shape_cast %swap3A_173 : vector<16xf32> to vector<16xf32>
      %swap3A_175 = vector.shape_cast %add3A_171 : vector<16xf32> to vector<16xf32>
      tpu.vector_store %arg8[%swap3A_172], %swap3A_175 {strides = array<i32>} : memref<32xf32, #tpu.memory_space<vmem>>, vector<16xf32>,
      %swap3A_176 = arith.constant 16 : index
      %swap3A_177 = tpu.vector_load %arg8[%swap3A_176] {strides = array<i32>} : memref<32xf32, #tpu.memory_space<vmem>>, vector<16xf32>,
      %swap3A_178 = vector.shape_cast %swap3A_177 : vector<16xf32> to vector<16xf32>
      %swap3A_179 = vector.shape_cast %add3A_171 : vector<16xf32> to vector<16xf32>
      tpu.vector_store %arg8[%swap3A_176], %swap3A_179 {strides = array<i32>} : memref<32xf32, #tpu.memory_space<vmem>>, vector<16xf32>,
      %get3A_180 = arith.constant 8 : index
      %get3A_181 = tpu.vector_load %arg8[%get3A_180] {strides = array<i32>} : memref<32xf32, #tpu.memory_space<vmem>>, vector<16xf32>,
      %get3A_182 = vector.shape_cast %get3A_181 : vector<16xf32> to vector<16xf32>
      %add3A_183 = arith.addf %add3A_171, %get3A_182 : vector<16xf32>
      %convert_element_type3A_184 = arith.sitofp %add3A_63 : vector<16xi32> to vector<16xf32>
      %sub3A = arith.subi %add3A_63, %add3A_135 : vector<16xi32>
      %convert_element_type3A_185 = arith.sitofp %sub3A : vector<16xi32> to vector<16xf32>
      %mul3A_186 = arith.mulf %convert_element_type3A_185, %bitcast_convert_type3A : vector<16xf32>
      %add3A_187 = arith.addf %add3A_183, %mul3A_186 : vector<16xf32>
      %div3A = arith.divf %add3A_187, %convert_element_type3A_184 : vector<16xf32>
      %swap3A_188 = arith.constant 0 : index
      %swap3A_189 = tpu.vector_load %arg7[%swap3A_188] {strides = array<i32>} : memref<16xf32, #tpu.memory_space<vmem>>, vector<16xf32>,
      %swap3A_190 = vector.shape_cast %swap3A_189 : vector<16xf32> to vector<16xf32>
      %swap3A_191 = vector.shape_cast %div3A : vector<16xf32> to vector<16xf32>
      tpu.vector_store %arg7[%swap3A_188], %swap3A_191 {strides = array<i32>} : memref<16xf32, #tpu.memory_space<vmem>>, vector<16xf32>,
      "tpu.region"() ({
        %run_scoped3A = tpu.sem_alloc : memref<!tpu.dma_semaphore, #tpu.memory_space<semaphore_mem>>
        %dma_start3A = arith.constant 0 : i32
        %dma_start3A_192 = tpu.memref_slice %arg4[%add3A, %dma_start3A] : memref<16x16xf32, #tpu.memory_space<hbm>> -> memref<1x16xf32, #tpu.memory_space<hbm>>
        %dma_start3A_193 = tpu.memref_squeeze %dma_start3A_192 : memref<1x16xf32, #tpu.memory_space<hbm>> -> memref<16xf32, #tpu.memory_space<hbm>>
        %dma_start3A_194 = arith.constant 0 : i32
        %dma_start3A_195 = tpu.memref_slice %arg4[%add3A, %dma_start3A_194] : memref<16x16xf32, #tpu.memory_space<hbm>> -> memref<1x16xf32, #tpu.memory_space<hbm>>
        %dma_start3A_196 = tpu.memref_squeeze %dma_start3A_195 : memref<1x16xf32, #tpu.memory_space<hbm>> -> memref<16xf32, #tpu.memory_space<hbm>>
        tpu.enqueue_dma source(%arg7 : memref<16xf32, #tpu.memory_space<vmem>>) target(%dma_start3A_196 : memref<16xf32, #tpu.memory_space<hbm>>) target_semaphore(%run_scoped3A : memref<!tpu.dma_semaphore, #tpu.memory_space<semaphore_mem>>)
        %dma_wait3A = arith.constant 0 : i32
        %dma_wait3A_197 = tpu.memref_slice %arg4[%add3A, %dma_wait3A] : memref<16x16xf32, #tpu.memory_space<hbm>> -> memref<1x16xf32, #tpu.memory_space<hbm>>
        %dma_wait3A_198 = tpu.memref_squeeze %dma_wait3A_197 : memref<1x16xf32, #tpu.memory_space<hbm>> -> memref<16xf32, #tpu.memory_space<hbm>>
        %dma_wait3A_199 = arith.constant 0 : i32
        %dma_wait3A_200 = tpu.memref_slice %arg4[%add3A, %dma_wait3A_199] : memref<16x16xf32, #tpu.memory_space<hbm>> -> memref<1x16xf32, #tpu.memory_space<hbm>>
        %dma_wait3A_201 = tpu.memref_squeeze %dma_wait3A_200 : memref<1x16xf32, #tpu.memory_space<hbm>> -> memref<16xf32, #tpu.memory_space<hbm>>
        tpu.wait_dma2 semaphore(%run_scoped3A : memref<!tpu.dma_semaphore, #tpu.memory_space<semaphore_mem>>) src(%arg7 : memref<16xf32, #tpu.memory_space<vmem>>) dst(%dma_wait3A_201 : memref<16xf32, #tpu.memory_space<hbm>>)
        tpu.yield
      }) : () -> ()
    } else {
    }
    return
  }
}

module attributes {stable_mosaic.version = 14 : i64} {
  func.func @_mlp_kernel(%arg0: i32, %arg1: memref<1x4096x128xf32, #tpu.memory_space<vmem>>, %arg2: memref<512x128xf32, #tpu.memory_space<vmem>>, %arg3: memref<1x512xf32, #tpu.memory_space<vmem>>, %arg4: memref<32x512xf32, #tpu.memory_space<vmem>>, %arg5: memref<1x32xf32, #tpu.memory_space<vmem>>, %arg6: memref<1x32xf32, #tpu.memory_space<vmem>>, %arg7: memref<1x1xf32, #tpu.memory_space<vmem>>, %arg8: memref<4096xf32, #tpu.memory_space<vmem>>) attributes {dimension_semantics = [#tpu.dimension_semantics<arbitrary>], iteration_bounds = array<i64: 16>, scalar_prefetch = 0 : i64, scratch_operands = 0 : i64, tpu.core_type = #tpu.core_type<tc>, window_params = [{transform_indices = @transform_0, window_bounds = array<i64: 1, 4096, 128>}, {pipeline_mode = #tpu.pipeline_mode<synchronous>, transform_indices = @transform_1, window_bounds = array<i64: 512, 128>}, {pipeline_mode = #tpu.pipeline_mode<synchronous>, transform_indices = @transform_2, window_bounds = array<i64: 1, 512>}, {pipeline_mode = #tpu.pipeline_mode<synchronous>, transform_indices = @transform_3, window_bounds = array<i64: 32, 512>}, {pipeline_mode = #tpu.pipeline_mode<synchronous>, transform_indices = @transform_4, window_bounds = array<i64: 1, 32>}, {pipeline_mode = #tpu.pipeline_mode<synchronous>, transform_indices = @transform_5, window_bounds = array<i64: 1, 32>}, {pipeline_mode = #tpu.pipeline_mode<synchronous>, transform_indices = @transform_6, window_bounds = array<i64: 1, 1>}, {transform_indices = @transform_7, window_bounds = array<i64: 4096>}]} {
    %get3A = arith.constant 0 : index
    %get3A_0 = arith.constant 0 : index
    %get3A_1 = vector.load %arg6[%get3A, %get3A_0] : memref<1x32xf32, #tpu.memory_space<vmem>>, vector<1x32xf32>
    %get3A_2 = arith.constant 0 : index
    %get3A_3 = arith.constant 0 : index
    %get3A_4 = vector.load %arg4[%get3A_2, %get3A_3] : memref<32x512xf32, #tpu.memory_space<vmem>>, vector<32x512xf32>
    %dot_general3A = arith.constant dense<0.000000e+00> : vector<1x512xf32>
    %dot_general3A_5 = tpu.matmul %get3A_1, %get3A_4, %dot_general3A {dimension_numbers = #tpu.dot_dimension_numbers<[1], [0], [0], [1], [0, 0, 1, 1], [], []>, transpose_lhs_hint = false} : vector<1x32xf32>, vector<32x512xf32>, vector<1x512xf32> -> vector<1x512xf32>
    %get3A_6 = arith.constant 0 : index
    %get3A_7 = arith.constant 0 : index
    %get3A_8 = vector.load %arg6[%get3A_6, %get3A_7] : memref<1x32xf32, #tpu.memory_space<vmem>>, vector<1x32xf32>
    %get3A_9 = arith.constant 0 : index
    %get3A_10 = arith.constant 0 : index
    %get3A_11 = vector.load %arg5[%get3A_9, %get3A_10] : memref<1x32xf32, #tpu.memory_space<vmem>>, vector<1x32xf32>
    %mul3A = arith.mulf %get3A_8, %get3A_11 : vector<1x32xf32>
    %reduce_sum3A = arith.constant dense<0.000000e+00> : vector<1xf32>
    %reduce_sum3A_12 = vector.multi_reduction <add>, %mul3A, %reduce_sum3A [1] : vector<1x32xf32> to vector<1xf32>
    %broadcast_in_dim3A = vector.shape_cast %reduce_sum3A_12 : vector<1xf32> to vector<1x1xf32>
    %get3A_13 = arith.constant 0 : index
    %get3A_14 = arith.constant 0 : index
    %get3A_15 = vector.load %arg7[%get3A_13, %get3A_14] : memref<1x1xf32, #tpu.memory_space<vmem>>, vector<1x1xf32>
    %add3A = arith.addf %broadcast_in_dim3A, %get3A_15 : vector<1x1xf32>
    %get3A_16 = arith.constant 0 : index
    %get3A_17 = arith.constant 0 : index
    %get3A_18 = arith.constant 0 : index
    %get3A_19 = vector.load %arg1[%get3A_16, %get3A_17, %get3A_18] : memref<1x4096x128xf32, #tpu.memory_space<vmem>>, vector<1x4096x128xf32>
    %get3A_20 = vector.shape_cast %get3A_19 : vector<1x4096x128xf32> to vector<4096x128xf32>
    %get3A_21 = arith.constant 0 : index
    %get3A_22 = arith.constant 0 : index
    %get3A_23 = vector.load %arg2[%get3A_21, %get3A_22] : memref<512x128xf32, #tpu.memory_space<vmem>>, vector<512x128xf32>
    %dot_general3A_24 = arith.constant dense<0.000000e+00> : vector<4096x512xf32>
    %dot_general3A_25 = tpu.matmul %get3A_20, %get3A_23, %dot_general3A_24 {dimension_numbers = #tpu.dot_dimension_numbers<[1], [1], [0], [0], [0, 0, 1, 0], [], []>, transpose_lhs_hint = false} : vector<4096x128xf32>, vector<512x128xf32>, vector<4096x512xf32> -> vector<4096x512xf32>
    %get3A_26 = arith.constant 0 : index
    %get3A_27 = arith.constant 0 : index
    %get3A_28 = vector.load %arg3[%get3A_26, %get3A_27] : memref<1x512xf32, #tpu.memory_space<vmem>>, vector<1x512xf32>
    %add3A_29 = vector.broadcast %get3A_28 : vector<1x512xf32> to vector<4096x512xf32>
    %add3A_30 = arith.addf %dot_general3A_25, %add3A_29 : vector<4096x512xf32>
    %max3A = arith.constant 0.000000e+00 : f32
    %max3A_31 = vector.broadcast %max3A : f32 to vector<4096x512xf32>
    %max3A_32 = arith.maximumf %add3A_30, %max3A_31 : vector<4096x512xf32>
    %dot_general3A_33 = arith.constant dense<0.000000e+00> : vector<1x4096xf32>
    %dot_general3A_34 = tpu.matmul %dot_general3A_5, %max3A_32, %dot_general3A_33 {dimension_numbers = #tpu.dot_dimension_numbers<[1], [1], [0], [0], [0, 0, 1, 0], [], []>, transpose_lhs_hint = false} : vector<1x512xf32>, vector<4096x512xf32>, vector<1x4096xf32> -> vector<1x4096xf32>
    %add3A_35 = vector.broadcast %add3A : vector<1x1xf32> to vector<1x4096xf32>
    %add3A_36 = arith.addf %dot_general3A_34, %add3A_35 : vector<1x4096xf32>
    %logistic3A = arith.negf %add3A_36 : vector<1x4096xf32>
    %logistic3A_37 = math.exp %logistic3A : vector<1x4096xf32>
    %logistic3A_38 = arith.constant 1.000000e+00 : f32
    %logistic3A_39 = vector.broadcast %logistic3A_38 : f32 to vector<1x4096xf32>
    %logistic3A_40 = arith.addf %logistic3A_39, %logistic3A_37 : vector<1x4096xf32>
    %logistic3A_41 = arith.divf %logistic3A_39, %logistic3A_40 : vector<1x4096xf32>
    %squeeze3A = vector.shape_cast %logistic3A_41 : vector<1x4096xf32> to vector<4096xf32>
    %swap3A = arith.constant 0 : index
    %swap3A_42 = vector.load %arg8[%swap3A] : memref<4096xf32, #tpu.memory_space<vmem>>, vector<4096xf32>
    tpu.vector_store %arg8[%swap3A], %squeeze3A {strides = array<i32>} : memref<4096xf32, #tpu.memory_space<vmem>>, vector<4096xf32>,
    return
  }
  func.func @transform_0(%arg0: i32) -> (i32, i32, i32) {
    %c0_i32 = arith.constant 0 : i32
    %c0_i32_0 = arith.constant 0 : i32
    %c0_i32_1 = arith.constant 0 : i32
    return %arg0, %c0_i32, %c0_i32_0 : i32, i32, i32
  }
  func.func @transform_1(%arg0: i32) -> (i32, i32) {
    %c0_i32 = arith.constant 0 : i32
    %c0_i32_0 = arith.constant 0 : i32
    %c0_i32_1 = arith.constant 0 : i32
    return %c0_i32, %c0_i32_0 : i32, i32
  }
  func.func @transform_2(%arg0: i32) -> (i32, i32) {
    %c0_i32 = arith.constant 0 : i32
    %c0_i32_0 = arith.constant 0 : i32
    %c0_i32_1 = arith.constant 0 : i32
    return %c0_i32, %c0_i32_0 : i32, i32
  }
  func.func @transform_3(%arg0: i32) -> (i32, i32) {
    %c0_i32 = arith.constant 0 : i32
    %c0_i32_0 = arith.constant 0 : i32
    %c0_i32_1 = arith.constant 0 : i32
    return %c0_i32, %c0_i32_0 : i32, i32
  }
  func.func @transform_4(%arg0: i32) -> (i32, i32) {
    %c0_i32 = arith.constant 0 : i32
    %c0_i32_0 = arith.constant 0 : i32
    %c0_i32_1 = arith.constant 0 : i32
    return %c0_i32, %c0_i32_0 : i32, i32
  }
  func.func @transform_5(%arg0: i32) -> (i32, i32) {
    %c0_i32 = arith.constant 0 : i32
    %c0_i32_0 = arith.constant 0 : i32
    %c0_i32_1 = arith.constant 0 : i32
    return %c0_i32, %c0_i32_0 : i32, i32
  }
  func.func @transform_6(%arg0: i32) -> (i32, i32) {
    %c0_i32 = arith.constant 0 : i32
    %c0_i32_0 = arith.constant 0 : i32
    %c0_i32_1 = arith.constant 0 : i32
    return %c0_i32, %c0_i32_0 : i32, i32
  }
  func.func @transform_7(%arg0: i32) -> i32 {
    %c0_i32 = arith.constant 0 : i32
    return %arg0 : i32
  }
}

</mosaic_0001>

<sc_bundles>
// kernel: kernel.4.cloned.1.call-start
scs
__scs_entry_jumppad:
0x0: {  	(pc) =	sbr.rel $0x88, $3  }
0x1: {  	(tag) =	ssettag $0x0;
	lr =	simm.s32 $0x1  }
0x2: {  	[smem:$0x3F99] =	sst lr;
	_ =	strace $0xD0000000  }
0x3: {  	_ = 	snop  }
0x4: {  	_ = 	snop  }
0x5: {  	_ = 	snop  }
0x6: {  	_ = 	snop  }
0x7: {  	_ = 	snop  }
__scs_overlays_trampoline_lowered:
0x8: {  	[smem:$0x3FA8] =	sst s0  }
0x9: {  	[smem:$0x3FA9] =	sst s1  }
0xa: {  	[smem:$0x3FAA] =	sst s2  }
0xb: {  	[smem:$0x3FAB] =	sst s3  }
0xc: {  	[smem:$0x3FAC] =	sst s4  }
0xd: {  	[smem:$0x3FAD] =	sst s5  }
0xe: {  	[smem:$0x3FAE] =	sst s6  }
0xf: {  	[smem:$0x3FAF] =	sst s7  }
0x10: {  	[smem:$0x3FB0] =	sst s8  }
0x11: {  	[smem:$0x3FB1] =	sst s9;
	s0 =	simm.s32 @!p0 $0x0  }
0x12: {  	s1 =	sld [smem:$0x3F97];
	s0 =	simm.s32 @p0 $0x1  }
0x13: {  	[smem:$0x3FB2] =	sst s0;
	s0 =	simm.s32 @!p1 $0x0  }
0x14: {  	s2 =	sld [smem:$0x3F96];
	s0 =	simm.s32 @p1 $0x1  }
0x15: {  	[smem:$0x3FB3] =	sst s0;
	s0 =	simm.s32 @!p2 $0x0  }
0x16: {  	s3 =	sld [smem:$0x3FDB];
	s0 =	simm.s32 @p2 $0x1  }
0x17: {  	s4 =	simm.s32 $0x1BF5;
	[smem:$0x3FB5] =	sst s0  }
0x18: {  	s0 =	sld [smem:$0x3F98];
	_ =	swait.ge [sflag:s4], $0x0  }
0x19: {  	s7 =	sld [smem:$0x3F99]  }
0x1a: {  	s8 =	sadd.s32 $0xFFFFE003, lr  }
0x1b: {  	s9 =	sadd.s32 $0xFFFFFEF7, lr;
	s5 =	simm.s32 $0xFFFFFFFF;
	p2 =	slt.u32 s8, $0xFFFFF086  }
0x1c: {  	p1 =	slt.u32 s9, $0xF7A;
	s5 =	simm.s32 @!p2 $0x0  }
0x1d: {  	s5 =	simm.s32 @p1 $0x1;
	p0 =	seq.s32 s7, s2  }
0x1e: {  	s7 =	smul.u32 @!p0 $0xF7A, s2;
	p2 =	seq.s32 @!p0 s5, $0x0  }
0x1f: {  	s9 =	smul.u32 $0xF7A, s1;
	s8 =	simm.s32 @!p0 $0x1BF5;
	p2 =	por !p2, p0  }
0x20: {  	[sflag:s8] =	ssyncset.s32 @!p0 $0xFFFFF086;
	s6 =	sadd.s32 @!p0 s3, s7;
	s7 =	simm.s32 @!p0 $0x108  }
0x21: {  	s3 =	sadd.s32 s3, s9;
	s6 =	sadd.s32 @!p0 $0x88, s6;
	s7 =	simm.s32 @p2 $0x1082  }
0x22: {  	[simem:s7], [sflag:s8] =	dma.local @!p0 [hbm:s6], $0xF7A  }
0x23: {  	s9 =	sor.u32 $0xD0000000, s2;
	s6 =	simm.s32 $0x108;
	_ =	swait.ge @!p0 [sflag:s8], $0x0  }
0x24: {  	s3 =	sadd.s32 $0x88, s3;
	s6 =	simm.s32 @!p1 $0x1082;
	[sflag:s4] =	ssyncset.s32 $0xFFFFF086  }
0x25: {  	[simem:s6], [sflag:s4] =	dma.local [hbm:s3], $0xF7A  }
0x26: {  	[smem:$0x3F99] =	sst s1;
	(tag) =	ssettag s2;
	_ =	strace s9  }
0x27: {  	s1 =	sld [smem:$0x3FA9]  }
0x28: {  	s2 =	sld [smem:$0x3FAA]  }
0x29: {  	s4 =	sld [smem:$0x3FAC]  }
0x2a: {  	p0 =	seq.s32 s5, $0x0;
	s5 =	sld [smem:$0x3FAD]  }
0x2b: {  	s6 =	sld [smem:$0x3FAE]  }
0x2c: {  	s7 =	sld [smem:$0x3FAF]  }
0x2d: {  	s3 =	simm.s32 $0x108;
	s8 =	sld [smem:$0x3FB0]  }
0x2e: {  	s3 =	simm.s32 @!p0 $0x1082;
	s9 =	sld [smem:$0x3FB1]  }
0x2f: {  	lr =	sadd.s32 s0, s3;
	s0 =	sld [smem:$0x3FA8]  }
0x30: {  	s3 =	sld [smem:$0x3FAB]  }
0x31: {  	[smem:$0x3FB4] =	sst s10  }
0x32: {  	s10 =	sld [smem:$0x3FB2];
	_ =	sdelay $0x3  }
0x33: {  	p0 =	seq.s32 s10, $0x1;
	s10 =	sld [smem:$0x3FB4];
	_ =	sdelay $0x3  }
0x34: {  	[smem:$0x3FB4] =	sst s10  }
0x35: {  	s10 =	sld [smem:$0x3FB3];
	_ =	sdelay $0x3  }
0x36: {  	p1 =	seq.s32 s10, $0x1;
	s10 =	sld [smem:$0x3FB4];
	_ =	sdelay $0x3  }
0x37: {  	[smem:$0x3FB4] =	sst s10  }
0x38: {  	s10 =	sld [smem:$0x3FB5]  }
0x39: {  	_ = 	snop;
	(pc) =	sbr.ind lr, $3  }
0x3a: {  	_ = 	snop  }
0x3b: {  	_ = 	snop  }
0x3c: {  	p2 =	seq.s32 s10, $0x1;
	s10 =	sld [smem:$0x3FB4]  }
0x3d: {  	_ =	shalt  }
0x3e: {  	_ =	shalt  }
0x3f: {  	_ =	shalt  }
0x40: {  	_ =	shalt  }
0x41: {  	_ =	shalt  }
0x42: {  	_ =	shalt  }
0x43: {  	_ =	shalt  }
0x44: {  	_ =	shalt  }
0x45: {  	_ =	shalt  }
0x46: {  	_ =	shalt  }
0x47: {  	_ =	shalt  }
0x48: {  	_ =	shalt  }
0x49: {  	_ =	shalt  }
0x4a: {  	_ =	shalt  }
0x4b: {  	_ =	shalt  }
0x4c: {  	_ =	shalt  }
0x4d: {  	_ =	shalt  }
0x4e: {  	_ =	shalt  }
0x4f: {  	_ =	shalt  }
0x50: {  	_ =	shalt  }
0x51: {  	_ =	shalt  }
0x52: {  	_ =	shalt  }
0x53: {  	_ =	shalt  }
0x54: {  	_ =	shalt  }
0x55: {  	_ =	shalt  }
0x56: {  	_ =	shalt  }
0x57: {  	_ =	shalt  }
0x58: {  	_ =	shalt  }
0x59: {  	_ =	shalt  }
0x5a: {  	_ =	shalt  }
0x5b: {  	_ =	shalt  }
0x5c: {  	_ =	shalt  }
0x5d: {  	_ =	shalt  }
0x5e: {  	_ =	shalt  }
0x5f: {  	_ =	shalt  }
0x60: {  	_ =	shalt  }
0x61: {  	_ =	shalt  }
0x62: {  	_ =	shalt  }
0x63: {  	_ =	shalt  }
0x64: {  	_ =	shalt  }
0x65: {  	_ =	shalt  }
0x66: {  	_ =	shalt  }
0x67: {  	_ =	shalt  }
0x68: {  	_ =	shalt  }
0x69: {  	_ =	shalt  }
0x6a: {  	_ =	shalt  }
0x6b: {  	_ =	shalt  }
0x6c: {  	_ =	shalt  }
0x6d: {  	_ =	shalt  }
0x6e: {  	_ =	shalt  }
0x6f: {  	_ =	shalt  }
0x70: {  	_ =	shalt  }
0x71: {  	_ =	shalt  }
0x72: {  	_ =	shalt  }
0x73: {  	_ =	shalt  }
0x74: {  	_ =	shalt  }
0x75: {  	_ =	shalt  }
0x76: {  	_ =	shalt  }
0x77: {  	_ =	shalt  }
0x78: {  	_ =	shalt  }
0x79: {  	_ =	shalt  }
0x7a: {  	_ =	shalt  }
0x7b: {  	_ =	shalt  }
0x7c: {  	_ =	shalt  }
0x7d: {  	_ =	shalt  }
0x7e: {  	_ =	shalt  }
0x7f: {  	_ =	shalt  }
0x80: {  	_ =	shalt  }
0x81: {  	_ =	shalt  }
0x82: {  	_ =	shalt  }
0x83: {  	_ =	shalt  }
0x84: {  	_ =	shalt  }
0x85: {  	_ =	shalt  }
0x86: {  	_ =	shalt  }
0x87: {  	_ =	shalt  }
.Lfunc_end0:
.L_simem_size_0:
called_computation_lowered:
.L_overlay_start_0:
0x88: {  	s2 =	sld [smem:$0x3FD9]  }
0x89: {  	s3 =	sld [smem:$0x3FFE];
	_ =	sdelay $0x1  }
0x8a: {  	s1 =	srdreg.scid  }
0x8b: {  	s0 =	sand.u32 $0x1, s1  }
0x8c: {  	s17 =	sshll.u32 s0, $0xA;
	s2 =	sadd.s32 s3, s2  }
0x8d: {  	s2 =	sadd.s32 s2, s17  }
0x8e: {  	[smem:$0x3FC0] =	sst s2  }
0x8f: {  	_ = 	snop  }
0x90: {  	s2 =	sld [smem:$0x3FC8];
	(tm) =	ssettm $0x1  }
0x91: {  	s18 =	sld [smem:$0x3FFB];
	_ =	sdelay $0x3  }
0x92: {  	_ =	strace s18  }
0x93: {  	s3 =	sld [smem:$0x3FFC];
	_ =	sdelay $0x3  }
0x94: {  	_ =	strace s3  }
0x95: {  	s3 =	sld [smem:$0x3FFD];
	_ =	sdelay $0x3  }
0x96: {  	_ =	strace s3  }
0x97: {  	_ =	strace $0x8FFFFFFF  }
0x98: {  	s19 =	sld [smem:$0x3FDB];
	_ =	sdelay $0x1  }
0x99: {  	s4 =	simm.s32 $_scs_section_size  }
0x9a: {  	s5 =	simm.s32 $_size__tile_overlayer_lowered;
	s6 =	simm.s32 $_tile_overlayer_lowered  }
0x9b: {  	s22 =	simm.s32 $0x1BFF;
	s21 =	sshll.u32 s6, $0x1;
	s3 =	sadd.s32 s4, s19  }
0x9c: {  	s7 =	simm.s32 $0x0;
	s20 =	sshll.u32 s5, $0x1;
	s5 =	sadd.s32 s21, s3  }
0x9d: {  	[timem:s7], [sflag:s22] =	dma.local [hbm:s5], s20  }
0x9e: {  	_ =	swait.ge [sflag:s22], s20  }
0x9f: {  	s4 =	ssub.s32 $0x0, s20;
	[sflag:s22] =	ssyncset.done $0x0  }
0xa0: {  	[sflag:s22] =	ssyncadd.s32 s4;
	_ =	sdelay $0x1  }
0xa1: {  	s23 =	simm.s32 $0x1B8B  }
0xa2: {  	_ =	swait.ge [sflag:s23], $0x1  }
0xa3: {  	[sflag:s23] =	ssyncset.done $0x0  }
0xa4: {  	s25 =	simm.s32 $0x1B8E;
	s24 =	sld [smem:$0x3FFE];
	[sflag:s23] =	ssyncadd.s32 $0xFFFFFFFF  }
0xa5: {  	s26 =	simm.s32 $execute0_lowered;
	[smem:$0x3FD2] =	sst s25  }
0xa6: {  	s5 =	sshll.u32 s26, $0x1;
	_ =	strace $0x80000046;
	[dreg:$0x1] =	wrdreg $0xFFFFFFFF  }
0xa7: {  	s28 =	simm.s32 $_size_execute0_lowered;
	s3 =	sadd.s32 s3, s5;
	[dreg:$0x0] =	wrdreg $0x0  }
0xa8: {  	s5 =	sshll.u32 s28, $0x1;
	[dreg:$0x2] =	wrdreg s3  }
0xa9: {  	[dreg:$0x3] =	wrdreg s5  }
0xaa: {  	[dreg:$0x4] =	wrdreg $0xC0  }
0xab: {  	_ =	task [dreg:s7], $0x5FFFF  }
0xac: {  	[dreg:$0x1] =	wrdreg $0xFFFFFFFF  }
0xad: {  	[dreg:$0x0] =	wrdreg $0x60  }
0xae: {  	[dreg:$0x2] =	wrdreg s24  }
0xaf: {  	[dreg:$0x3] =	wrdreg s2  }
0xb0: {  	[dreg:$0x4] =	wrdreg $0x9  }
0xb1: {  	_ =	task.clear_ibuf [dreg:s7], $0x5FFFF;
	_ =	strace $0x90000046  }
0xb2: {  	s29 =	simm.s32 $0x9;
	_ =	strace $0x80000048  }
0xb3: {  	_ =	swait.ge [sflag:s29], $0x1  }
0xb4: {  	[sflag:s29] =	ssyncadd.s32 $0xFFFFFFFF  }
0xb5: {  	_ =	strace $0x90000048  }
0xb6: {  	_ =	sfence  }
0xb7: {  	s30 =	sld [smem:$0x0];
	_ =	sdelay $0x2  }
0xb8: {  	s31 =	sshll.u32 s1, $0xD;
	s1 =	sshrl.u32 s1, $0x2  }
0xb9: {  	s3 =	sand.u32 $0x4000, s31;
	s1 =	sadd.s32 s1, s30  }
0xba: {  	s0 =	sor.u32 s3, s0;
	s1 =	sshll.u32 s1, $0x11  }
0xbb: {  	s0 =	sor.u32 s1, s0  }
0xbc: {  	s0 =	sadd.s32 $0x8F2B, s0  }
0xbd: {  	[sflag:s0] =	ssyncadd.remote.s32 $0x1  }
0xbe: {  	_ =	sfence.sel $0xFFFF  }
0xbf: {  	[dreg:$0x0] =	wrdreg $0xFFFFFFFF;
	(pc) =	sbr.abs _section_cstart, $3  }
0xc0: {  	[dreg:$0x1] =	wrdreg $0xFFFFFFFF  }
0xc1: {  	_ =	task.clear_ibuf [dreg:s7], $0x2FFFF;
	_ =	strace $0x9FFFFFFF  }
0xc2: {  	(tm) =	ssettm $0x7FFFFFFF  }
0xc3: {  	_ =	shalt  }
tec
execute0_lowered:
.L_overlay_start_1:
0x0: {  	(tag) =	ssettag $0x1  }
0x1: {  	s1 =	stileid.u32  }
0x2: {  	p0 =	sgt.u32 s1, $0x7  }
.Ltmp0:
0x3: {  	_ = 	snop;
	(pc) =	sbr.rel @p0 .LBB2_11-.Ltmp0, $4  }
0x4: {  	s4 =	rddreg [dreg:$0x0]  }
0x5: {  	s2 =	rddreg [dreg:$0x1];
	s3 =	simm.s32 $0x0  }
0x6: {  	[smem:$0x7FF] =	sst s3  }
0x7: {  	s0 =	rddreg [dreg:$0x2];
	_ =	strace $0x80000047  }
0x8: {  	s5 =	srdreg.scid  }
0x9: {  	s6 =	sshll.u32 s1, $0x1;
	s5 =	sand.u32 $0x1, s5  }
0xa: {  	s8 =	sadd.s32 $0xC00, s4;
	s9 =	simm.s32 $0x1080;
	s6 =	sor.u32 s5, s6  }
0xb: {  	s10 =	simm.s32 $0x0;
	s5 =	ssub.s32 $0x2, s5;
	s7 =	sshll.u32 s6, $0x4  }
0xc: {  	s30 =	sshrl.u32 s5, $0x1;
	s31 =	sshll.u32 s6, $0x9;
	s29 =	sadd.s32 s7, s4  }
0xd: {  	v0 =	vlaneseq.u32;
	v1 =	vmov s6;
	s7 =	ssub.s32 s5, s30;
	s5 =	sadd.s32 s8, s31;
	s8 =	simm.s32 $0x1000  }
0xe: {  	vm0 =	veq.s32 v1, v0;
	v1 =	vimm.s32 $0x0;
	s4 =	sadd.s32 $0x2C00, s29;
	s6 =	smax.u32 s7, $0x1;
	s7 =	simm.s32 $0x1  }
.LBB2_2:
0xf: {  	[tilespmem:s3], [sflag:$0x1] =	stream.linear.gather [hbm4b:s5+s3], $0x1000, $0x38;
	[tilespmem:$0x1200] =	vst v63  }
0x10: {  	_ =	swait.ge [sflag:s7], $0x1000  }
0x11: {  	[sflag:s7] =	ssyncset.done $0x0  }
0x12: {  	[sflag:s7] =	ssyncadd.s32 $0xFFFFF000  }
0x13: {  	[tilespmem:s8], [sflag:$0x1] =	stream.linear.gather [hbm4b:s2+s3], $0x80, $0x38;
	[tilespmem:$0x1200] =	vst v63  }
0x14: {  	_ =	swait.ge [sflag:s7], $0x80  }
0x15: {  	[sflag:s7] =	ssyncset.done $0x0  }
0x16: {  	[sflag:s7] =	ssyncadd.s32 $0xFFFFFF80  }
0x17: {  	v2 =	vld [tilespmem:$0x1000];
	_ =	sdelay $0x4  }
0x18: {  	v2 =	vnsel vm0, $0x0, v2  }
0x19: {  	[tilespmem:$0x1180] =	vst v2  }
0x1a: {  	[tilespmem:$0x1190] =	vst v2  }
0x1b: {  	v3 =	vld [tilespmem:$0x1181];
	_ =	sdelay $0x4  }
0x1c: {  	v2 =	vadd.s32 v2, v3  }
0x1d: {  	[tilespmem:$0x1180] =	vst v2  }
0x1e: {  	[tilespmem:$0x1190] =	vst v2  }
0x1f: {  	v3 =	vld [tilespmem:$0x1182];
	_ =	sdelay $0x4  }
0x20: {  	v2 =	vadd.s32 v2, v3  }
0x21: {  	[tilespmem:$0x1180] =	vst v2  }
0x22: {  	[tilespmem:$0x1190] =	vst v2  }
0x23: {  	v3 =	vld [tilespmem:$0x1184];
	_ =	sdelay $0x4  }
0x24: {  	v2 =	vadd.s32 v2, v3  }
0x25: {  	[tilespmem:$0x1180] =	vst v2  }
0x26: {  	[tilespmem:$0x1190] =	vst v2  }
0x27: {  	v3 =	vld [tilespmem:$0x1188]  }
0x28: {  	s11 =	simm.s32 $0x80  }
0x29: {  	v4 =	vld [tilespmem:s11+$0xFFFFFF80]  }
0x2a: {  	v5 =	vld [tilespmem:s11+$0xFFFFFF90]  }
0x2b: {  	s12 =	simm.s32 $0x0;
	v6 =	vld [tilespmem:s11+$0xFFFFFFA0]  }
0x2c: {  	s21 =	simm.s32 $0x10;
	v7 =	vld [tilespmem:s11+$0xFFFFFFB0];
	v2 =	vadd.s32 v2, v3;
	v3 =	vor.u32 s12, v0  }
0x2d: {  	s22 =	simm.s32 $0x20;
	v8 =	vld [tilespmem:s11+$0xFFFFFFC0];
	vm1 =	vlt.s32 v3, v2;
	v3 =	vor.u32 s21, v0  }
0x2e: {  	s23 =	simm.s32 $0x30;
	v9 =	vld [tilespmem:s11+$0xFFFFFFD0];
	v4 =	vnsel vm1, $0xBF800000, v4;
	vm1 =	vlt.s32 v3, v2;
	v3 =	vor.u32 s22, v0  }
0x2f: {  	s24 =	simm.s32 $0x40;
	[tilespmem:s11+$0xFFFFFF80] =	vst v4;
	v4 =	vnsel vm1, $0xBF800000, v5;
	vm1 =	vlt.s32 v3, v2;
	v3 =	vor.u32 s23, v0;
	v5 =	vld [tilespmem:s11+$0xFFFFFFE0]  }
0x30: {  	s25 =	simm.s32 $0x50;
	[tilespmem:s11+$0xFFFFFF90] =	vst v4;
	v4 =	vnsel vm1, $0xBF800000, v6;
	vm1 =	vlt.s32 v3, v2;
	v3 =	vor.u32 s24, v0;
	v6 =	vld [tilespmem:s11+$0x0]  }
0x31: {  	s26 =	simm.s32 $0x60;
	[tilespmem:s11+$0xFFFFFFA0] =	vst v4;
	v4 =	vnsel vm1, $0xBF800000, v7;
	vm1 =	vlt.s32 v3, v2;
	v3 =	vor.u32 s25, v0;
	v7 =	vld [tilespmem:s11+$0x10]  }
0x32: {  	s28 =	simm.s32 $0x80;
	[tilespmem:s11+$0xFFFFFFB0] =	vst v4;
	v4 =	vnsel vm1, $0xBF800000, v8;
	vm1 =	vlt.s32 v3, v2;
	v3 =	vor.u32 s26, v0;
	v8 =	vld [tilespmem:s11+$0x20]  }
0x33: {  	s29 =	simm.s32 $0x90;
	[tilespmem:s11+$0xFFFFFFC0] =	vst v4;
	v4 =	vnsel vm1, $0xBF800000, v9;
	vm1 =	vlt.s32 v3, v2;
	v9 =	vor.u32 s28, v0;
	v3 =	vld [tilespmem:s11+$0x30]  }
0x34: {  	s30 =	simm.s32 $0xA0;
	[tilespmem:s11+$0xFFFFFFD0] =	vst v4;
	v5 =	vnsel vm1, $0xBF800000, v5;
	vm1 =	vlt.s32 v9, v2;
	v9 =	vor.u32 s29, v0;
	v4 =	vld [tilespmem:s11+$0x40]  }
0x35: {  	s13 =	simm.s32 $0xB0;
	[tilespmem:s11+$0xFFFFFFE0] =	vst v5;
	v6 =	vnsel vm1, $0xBF800000, v6;
	vm1 =	vlt.s32 v9, v2;
	v9 =	vor.u32 s30, v0;
	v5 =	vld [tilespmem:s11+$0x50]  }
0x36: {  	s31 =	simm.s32 $0xC0;
	s15 =	simm.s32 $0xD0;
	[tilespmem:s11+$0x0] =	vst v6;
	v7 =	vnsel vm1, $0xBF800000, v7;
	vm1 =	vlt.s32 v9, v2;
	v9 =	vor.u32 s13, v0;
	v6 =	vld [tilespmem:s11+$0x60]  }
0x37: {  	s14 =	simm.s32 $0x80;
	s12 =	simm.s32 $0xF0;
	s13 =	simm.s32 $0x1F0;
	[tilespmem:s11+$0x10] =	vst v7;
	v8 =	vnsel vm1, $0xBF800000, v8;
	vm1 =	vlt.s32 v9, v2;
	v9 =	vor.u32 s31, v0;
	v7 =	vld [tilespmem:s11+$0x70]  }
.LBB2_3:
0x38: {  	p0 =	sne.s32 s13, $0xFF0;
	v10 =	vld [tilespmem:s11+$0xFFFFFFF0];
	[tilespmem:s11+$0x20] =	vst v8;
	v3 =	vnsel vm1, $0xBF800000, v3;
	vm1 =	vlt.s32 v9, v2;
	v8 =	vor.u32 s15, v0;
	s15 =	sadd.s32 $0xFFFFFFF0, s12;
	s14 =	sadd.s32 $0x100, s14  }
0x39: {  	v9 =	vld [tilespmem:s14+$0xFFFFFF80];
	[tilespmem:s11+$0x30] =	vst v3;
	v3 =	vnsel vm1, $0xBF800000, v4;
	vm1 =	vlt.s32 v8, v2;
	v4 =	vor.u32 s15, v0  }
0x3a: {  	s15 =	sadd.s32 $0xFFFFFF80, s12;
	v8 =	vld [tilespmem:s14+$0xFFFFFF90];
	[tilespmem:s11+$0x40] =	vst v3;
	v3 =	vnsel vm1, $0xBF800000, v5;
	vm1 =	vlt.s32 v4, v2;
	v4 =	vor.u32 s12, v0;
	s12 =	smov.u32 s13  }
0x3b: {  	s16 =	sadd.s32 $0xFFFFFF10, s13;
	v11 =	vor.u32 s15, v0;
	v5 =	vld [tilespmem:s14+$0xFFFFFFA0];
	[tilespmem:s11+$0x50] =	vst v3;
	v3 =	vnsel vm1, $0xBF800000, v6;
	vm1 =	vlt.s32 v4, v2  }
0x3c: {  	s15 =	sadd.s32 $0xFFFFFF20, s13;
	v4 =	vor.u32 s16, v0;
	vm2 =	vlt.s32 v11, v2;
	v6 =	vld [tilespmem:s14+$0xFFFFFFB0];
	[tilespmem:s11+$0x60] =	vst v3;
	v3 =	vnsel vm1, $0xBF800000, v7  }
0x3d: {  	vm1 =	vlt.s32 v4, v2;
	v4 =	vor.u32 s15, v0;
	s15 =	sadd.s32 $0xFFFFFF30, s13;
	v7 =	vld [tilespmem:s14+$0xFFFFFFC0];
	v10 =	vnsel vm2, $0xBF800000, v10;
	[tilespmem:s11+$0x70] =	vst v3  }
0x3e: {  	v3 =	vnsel vm1, $0xBF800000, v9;
	vm1 =	vlt.s32 v4, v2;
	v4 =	vor.u32 s15, v0;
	s15 =	sadd.s32 $0xFFFFFF40, s13;
	v9 =	vld [tilespmem:s14+$0xFFFFFFD0];
	[tilespmem:s11+$0xFFFFFFF0] =	vst v10;
	s11 =	smov.u32 s14  }
0x3f: {  	[tilespmem:s14+$0xFFFFFF80] =	vst v3;
	v3 =	vnsel vm1, $0xBF800000, v8;
	vm1 =	vlt.s32 v4, v2;
	v4 =	vor.u32 s15, v0;
	s15 =	sadd.s32 $0xFFFFFF50, s13;
	v8 =	vld [tilespmem:s14+$0xFFFFFFE0]  }
0x40: {  	[tilespmem:s14+$0xFFFFFF90] =	vst v3;
	v3 =	vnsel vm1, $0xBF800000, v5;
	vm1 =	vlt.s32 v4, v2;
	v4 =	vor.u32 s15, v0;
	s15 =	sadd.s32 $0xFFFFFF60, s13;
	v5 =	vld [tilespmem:s14+$0x0]  }
0x41: {  	[tilespmem:s14+$0xFFFFFFA0] =	vst v3;
	v3 =	vnsel vm1, $0xBF800000, v6;
	vm1 =	vlt.s32 v4, v2;
	v4 =	vor.u32 s15, v0;
	s15 =	sadd.s32 $0xFFFFFF70, s13;
	v6 =	vld [tilespmem:s14+$0x10]  }
0x42: {  	[tilespmem:s14+$0xFFFFFFB0] =	vst v3;
	v3 =	vnsel vm1, $0xBF800000, v7;
	vm1 =	vlt.s32 v4, v2;
	v4 =	vor.u32 s15, v0;
	s15 =	sadd.s32 $0xFFFFFF90, s13;
	v7 =	vld [tilespmem:s14+$0x20]  }
.Ltmp1:
0x43: {  	[tilespmem:s14+$0xFFFFFFC0] =	vst v3;
	v9 =	vnsel vm1, $0xBF800000, v9;
	vm1 =	vlt.s32 v4, v2;
	v4 =	vor.u32 s15, v0;
	s15 =	sadd.s32 $0xFFFFFFA0, s13;
	v3 =	vld [tilespmem:s14+$0x30];
	(pc) =	sbr.rel @p0 .LBB2_3-.Ltmp1, $4  }
0x44: {  	[tilespmem:s14+$0xFFFFFFD0] =	vst v9;
	v8 =	vnsel vm1, $0xBF800000, v8;
	vm1 =	vlt.s32 v4, v2;
	v9 =	vor.u32 s15, v0;
	s15 =	sadd.s32 $0xFFFFFFB0, s13;
	v4 =	vld [tilespmem:s14+$0x40]  }
0x45: {  	[tilespmem:s14+$0xFFFFFFE0] =	vst v8;
	v8 =	vnsel vm1, $0xBF800000, v5;
	vm1 =	vlt.s32 v9, v2;
	v9 =	vor.u32 s15, v0;
	s15 =	sadd.s32 $0xFFFFFFC0, s13;
	v5 =	vld [tilespmem:s14+$0x50]  }
0x46: {  	[tilespmem:s14+$0x0] =	vst v8;
	v8 =	vnsel vm1, $0xBF800000, v6;
	vm1 =	vlt.s32 v9, v2;
	v9 =	vor.u32 s15, v0;
	s15 =	sadd.s32 $0xFFFFFFD0, s13;
	v6 =	vld [tilespmem:s14+$0x60]  }
0x47: {  	s13 =	sadd.s32 $0x100, s13;
	[tilespmem:s14+$0x10] =	vst v8;
	v8 =	vnsel vm1, $0xBF800000, v7;
	vm1 =	vlt.s32 v9, v2;
	v9 =	vor.u32 s15, v0;
	s15 =	sadd.s32 $0xFFFFFFE0, s12;
	v7 =	vld [tilespmem:s14+$0x70]  }
0x48: {  	v10 =	vld [tilespmem:s11+$0xFFFFFFF0];
	[tilespmem:s11+$0x20] =	vst v8;
	v3 =	vnsel vm1, $0xBF800000, v3;
	vm1 =	vlt.s32 v9, v2;
	v63 =	vor.u32 s15, v0;
	s13 =	sadd.s32 $0xFFFFFFF0, s12  }
0x49: {  	[tilespmem:s11+$0x30] =	vst v3;
	v3 =	vnsel vm1, $0xBF800000, v4;
	vm1 =	vlt.s32 v63, v2;
	v4 =	vor.u32 s13, v0  }
0x4a: {  	s31 =	sadd.s32 $0xFFFFFF80, s12;
	[tilespmem:s11+$0x40] =	vst v3;
	v3 =	vnsel vm1, $0xBF800000, v5;
	vm1 =	vlt.s32 v4, v2;
	v4 =	vor.u32 s12, v0  }
0x4b: {  	v5 =	vor.u32 s31, v0;
	[tilespmem:s11+$0x50] =	vst v3;
	v3 =	vnsel vm1, $0xBF800000, v6;
	vm1 =	vlt.s32 v4, v2  }
0x4c: {  	vm2 =	vlt.s32 v5, v2;
	[tilespmem:s11+$0x60] =	vst v3;
	v3 =	vnsel vm1, $0xBF800000, v7  }
0x4d: {  	v5 =	vimm.s32 $0x3F800000;
	v4 =	vnsel vm2, $0xBF800000, v10;
	[tilespmem:s11+$0x70] =	vst v3  }
0x4e: {  	v3 =	vshra.s32 v2, $0x4;
	v2 =	vimm.s32 $0x0;
	[tilespmem:s11+$0xFFFFFFF0] =	vst v4;
	s11 =	simm.s32 $0x0;
	v4 =	vimm.s32 $0x0  }
.LBB2_5:
0x4f: {  	s12 =	simm.s32 $0x0  }
0x50: {  	v7 =	vld [tilespmem:s12+$0x90]  }
0x51: {  	v9 =	vld [tilespmem:s12+$0x50]  }
0x52: {  	v10 =	vld [tilespmem:s12+$0x30]  }
0x53: {  	v11 =	vld [tilespmem:s12+$0x0]  }
0x54: {  	v12 =	vld [tilespmem:s12+$0x20]  }
0x55: {  	v15 =	vld [tilespmem:s12+$0x40]  }
0x56: {  	v6 =	vadd.s32 v2, v5;
	v8 =	vld [tilespmem:s12+$0xA0]  }
0x57: {  	v6 =	vshra.s32 v6, $0x1;
	v18 =	vld [tilespmem:s12+$0x10]  }
0x58: {  	v19 =	vimm.s32 $0x0;
	v17 =	vld [tilespmem:s12+$0x70];
	vm1 =	vge.f32 v7, v6  }
0x59: {  	v13 =	vld [tilespmem:s12+$0x60];
	vm2 =	vge.f32 v10, v6;
	vm3 =	vge.f32 v9, v6;
	vm4 =	vge.f32 v11, v6  }
0x5a: {  	v14 =	vld [tilespmem:s12+$0xB0];
	vm15 =	vge.f32 v12, v6;
	vm5 =	vge.f32 v15, v6;
	v16 =	vsel vm2, $0x1, v1  }
0x5b: {  	v10 =	vld [tilespmem:s12+$0xE0];
	vm2 =	vge.f32 v8, v6;
	v9 =	vsel vm4, $0x1, v1;
	v7 =	vsel vm1, $0x1, v1  }
0x5c: {  	v15 =	vld [tilespmem:s12+$0x80];
	v8 =	vsel vm3, $0x1, v1;
	v12 =	vsel vm15, $0x1, v1;
	vm1 =	vge.f32 v18, v6  }
0x5d: {  	v21 =	vsel vm5, $0x1, v1;
	v11 =	vsel vm2, $0x1, v1;
	v20 =	vadd.s32 v9, v4;
	v9 =	vld [tilespmem:s12+$0xF0]  }
0x5e: {  	s13 =	simm.s32 $0x400;
	vm2 =	vge.f32 v17, v6;
	v18 =	vadd.s32 v12, v4;
	v17 =	vld [tilespmem:s12+$0xC0];
	v12 =	vimm.s32 $0x0  }
.LBB2_6:
0x5f: {  	p0 =	sne.s32 s13, $0x3C00;
	v16 =	vadd.s32 v16, v19;
	v19 =	vadd.s32 v21, v20;
	vm3 =	vge.f32 v13, v6;
	v13 =	vld [tilespmem:s12+$0xD0];
	s12 =	sshra.s32 s13, $0x2;
	s13 =	sadd.s32 $0x400, s13  }
0x60: {  	v22 =	vsel vm2, $0x1, v1;
	vm2 =	vge.f32 v14, v6;
	v20 =	vld [tilespmem:s12+$0x40];
	v21 =	vsel vm3, $0x1, v1  }
0x61: {  	v23 =	vsel vm1, $0x1, v1;
	v16 =	vadd.s32 v22, v16;
	v14 =	vld [tilespmem:s12+$0x90];
	vm1 =	vge.f32 v15, v6  }
0x62: {  	v22 =	vsel vm2, $0x1, v1;
	v18 =	vadd.s32 v21, v18;
	v15 =	vld [tilespmem:s12+$0xA0];
	v21 =	vsel vm1, $0x1, v1  }
0x63: {  	v16 =	vadd.s32 v22, v16;
	v24 =	vld [tilespmem:s12+$0x50];
	v19 =	vadd.s32 v21, v19;
	vm1 =	vge.f32 v17, v6  }
0x64: {  	v12 =	vadd.s32 v23, v12;
	v17 =	vld [tilespmem:s12+$0x30];
	v21 =	vsel vm1, $0x1, v1;
	vm1 =	vge.f32 v10, v6  }
0x65: {  	v11 =	vadd.s32 v11, v18;
	vm2 =	vge.f32 v13, v6;
	v10 =	vld [tilespmem:s12+$0x0];
	v13 =	vsel vm1, $0x1, v1  }
0x66: {  	v21 =	vadd.s32 v21, v19;
	v19 =	vsel vm2, $0x1, v1;
	v18 =	vld [tilespmem:s12+$0x20];
	v22 =	vadd.s32 v13, v11  }
0x67: {  	v8 =	vadd.s32 v8, v12;
	vm2 =	vge.f32 v9, v6;
	vm1 =	vge.f32 v14, v6;
	v23 =	vld [tilespmem:s12+$0x70]  }
0x68: {  	v7 =	vadd.s32 v7, v8;
	v8 =	vsel vm2, $0x1, v1;
	vm3 =	vge.f32 v24, v6;
	v13 =	vld [tilespmem:s12+$0x60]  }
0x69: {  	v12 =	vadd.s32 v19, v7;
	v19 =	vadd.s32 v8, v16;
	v24 =	vld [tilespmem:s12+$0x10];
	vm2 =	vge.f32 v17, v6  }
.Ltmp2:
0x6a: {  	vm4 =	vge.f32 v10, v6;
	v16 =	vsel vm2, $0x1, v1;
	vm2 =	vge.f32 v15, v6;
	v14 =	vld [tilespmem:s12+$0xB0];
	(pc) =	sbr.rel @p0 .LBB2_6-.Ltmp2, $4  }
0x6b: {  	v7 =	vsel vm1, $0x1, v1;
	v9 =	vsel vm4, $0x1, v1;
	vm4 =	vge.f32 v18, v6;
	v10 =	vld [tilespmem:s12+$0xE0]  }
0x6c: {  	vm5 =	vge.f32 v20, v6;
	v8 =	vsel vm3, $0x1, v1;
	v11 =	vsel vm2, $0x1, v1;
	v15 =	vld [tilespmem:s12+$0x80]  }
0x6d: {  	v20 =	vadd.s32 v9, v21;
	v17 =	vsel vm4, $0x1, v1;
	vm2 =	vge.f32 v23, v6;
	v9 =	vld [tilespmem:s12+$0xF0]  }
0x6e: {  	v21 =	vsel vm5, $0x1, v1;
	v18 =	vadd.s32 v17, v22;
	vm1 =	vge.f32 v24, v6;
	v17 =	vld [tilespmem:s12+$0xC0]  }
0x6f: {  	v16 =	vadd.s32 v16, v19;
	v44 =	vadd.s32 v21, v20;
	vm3 =	vge.f32 v13, v6  }
0x70: {  	v45 =	vld [tilespmem:s12+$0xD0];
	v47 =	vsel vm2, $0x1, v1;
	vm2 =	vge.f32 v14, v6;
	v48 =	vsel vm1, $0x1, v1  }
0x71: {  	v46 =	vsel vm3, $0x1, v1;
	v16 =	vadd.s32 v47, v16;
	v51 =	vsel vm2, $0x1, v1  }
0x72: {  	v12 =	vadd.s32 v48, v12;
	vm1 =	vge.f32 v15, v6;
	v49 =	vadd.s32 v46, v18  }
0x73: {  	v16 =	vadd.s32 v51, v16;
	v8 =	vadd.s32 v8, v12;
	v50 =	vsel vm1, $0x1, v1  }
0x74: {  	v53 =	vadd.s32 v11, v49;
	v7 =	vadd.s32 v7, v8;
	vm1 =	vge.f32 v17, v6  }
0x75: {  	v52 =	vsel vm1, $0x1, v1;
	vm1 =	vge.f32 v10, v6;
	vm2 =	vge.f32 v45, v6  }
0x76: {  	v18 =	vadd.s32 v50, v44;
	v54 =	vsel vm1, $0x1, v1;
	v55 =	vsel vm2, $0x1, v1  }
0x77: {  	v56 =	vadd.s32 v52, v18;
	vm1 =	vge.f32 v9, v6;
	v7 =	vadd.s32 v55, v7  }
0x78: {  	v57 =	vadd.s32 v54, v53;
	v58 =	vsel vm1, $0x1, v1;
	v7 =	vadd.s32 v56, v7  }
0x79: {  	v59 =	vadd.s32 v58, v16;
	v7 =	vadd.s32 v57, v7  }
0x7a: {  	v7 =	vadd.s32 v59, v7  }
0x7b: {  	[tilespmem:$0x1180] =	vst v7  }
0x7c: {  	[tilespmem:$0x1190] =	vst v7  }
0x7d: {  	v60 =	vld [tilespmem:$0x1181];
	_ =	sdelay $0x4  }
0x7e: {  	v7 =	vadd.s32 v7, v60  }
0x7f: {  	[tilespmem:$0x1180] =	vst v7  }
0x80: {  	[tilespmem:$0x1190] =	vst v7  }
0x81: {  	v61 =	vld [tilespmem:$0x1182];
	_ =	sdelay $0x4  }
0x82: {  	v7 =	vadd.s32 v7, v61  }
0x83: {  	[tilespmem:$0x1180] =	vst v7  }
0x84: {  	[tilespmem:$0x1190] =	vst v7  }
0x85: {  	v62 =	vld [tilespmem:$0x1184];
	_ =	sdelay $0x4  }
0x86: {  	v7 =	vadd.s32 v7, v62  }
0x87: {  	[tilespmem:$0x1180] =	vst v7  }
0x88: {  	[tilespmem:$0x1190] =	vst v7  }
0x89: {  	v63 =	vld [tilespmem:$0x1188]  }
0x8a: {  	s11 =	sadd.s32 $0x1, s11  }
0x8b: {  	p0 =	sne.s32 s11, $0x1F  }
.Ltmp3:
0x8c: {  	_ = 	snop;
	(pc) =	sbr.rel @p0 .LBB2_5-.Ltmp3, $4  }
0x8d: {  	_ = 	snop  }
0x8e: {  	v7 =	vadd.s32 v7, v63  }
0x8f: {  	vm1 =	vgt.s32 v7, v3  }
0x90: {  	v2 =	vsel vm1, v6, v2;
	v5 =	vsel vm1, v5, v6  }
0x91: {  	s11 =	simm.s32 $0x0  }
0x92: {  	v6 =	vld [tilespmem:s11+$0x0];
	_ =	sdelay $0x1  }
0x93: {  	v7 =	vld [tilespmem:s11+$0x10];
	_ =	sdelay $0x1  }
0x94: {  	v8 =	vld [tilespmem:s11+$0x20]  }
0x95: {  	vm6 =	vgt.f32 v6, v2  }
0x96: {  	v9 =	vimm.f32 $0.0e+00;
	v10 =	vld [tilespmem:s11+$0x30];
	v6 =	vnsel vm6, $0x0, v6  }
0x97: {  	vm7 =	vgt.f32 v7, v2;
	v9 =	vadd.f32 v6, v9  }
0x98: {  	v11 =	vld [tilespmem:s11+$0x40];
	v7 =	vnsel vm7, $0x0, v7  }
0x99: {  	v4 =	vld [tilespmem:s11+$0xF0];
	vm8 =	vgt.f32 v8, v2;
	v7 =	vadd.f32 v7, v9  }
0x9a: {  	v12 =	vld [tilespmem:s11+$0x50];
	v8 =	vnsel vm8, $0x0, v8  }
0x9b: {  	v13 =	vld [tilespmem:s11+$0x60];
	vm9 =	vgt.f32 v10, v2;
	v7 =	vadd.f32 v8, v7  }
0x9c: {  	v14 =	vld [tilespmem:s11+$0x70];
	v10 =	vnsel vm9, $0x0, v10  }
0x9d: {  	v5 =	vld [tilespmem:s11+$0xE0];
	vm10 =	vgt.f32 v11, v2;
	v7 =	vadd.f32 v10, v7  }
0x9e: {  	v16 =	vld [tilespmem:s11+$0x80];
	v11 =	vnsel vm10, $0x0, v11  }
0x9f: {  	vm11 =	vgt.f32 v12, v2;
	v7 =	vadd.f32 v11, v7  }
0xa0: {  	v15 =	vimm.s32 $0x0;
	vm1 =	vgt.f32 v4, v2;
	v12 =	vnsel vm11, $0x0, v12  }
0xa1: {  	vm13 =	vgt.f32 v13, v2;
	vm14 =	vgt.f32 v14, v2;
	v7 =	vadd.f32 v12, v7  }
0xa2: {  	vm2 =	vgt.f32 v5, v2;
	v52 =	vnsel vm13, $0x0, v13;
	v53 =	vnsel vm14, $0x0, v14;
	v11 =	vld [tilespmem:s11+$0x90]  }
0xa3: {  	v54 =	vsel vm6, $0x1, v1;
	vm6 =	vgt.f32 v16, v2;
	v6 =	vld [tilespmem:s11+$0xD0];
	v7 =	vadd.f32 v52, v7  }
0xa4: {  	v56 =	vsel vm7, $0x1, v1;
	v58 =	vsel vm8, $0x1, v1;
	v59 =	vsel vm9, $0x1, v1;
	v10 =	vld [tilespmem:s11+$0xA0]  }
0xa5: {  	v60 =	vsel vm10, $0x1, v1;
	v61 =	vsel vm11, $0x1, v1;
	v9 =	vld [tilespmem:s11+$0xC0];
	v7 =	vadd.f32 v53, v7  }
0xa6: {  	v62 =	vsel vm13, $0x1, v1;
	v55 =	vadd.s32 v54, v15;
	v57 =	vnsel vm6, $0x0, v16;
	v8 =	vld [tilespmem:s11+$0xB0]  }
0xa7: {  	v12 =	vadd.s32 v56, v55;
	vm15 =	vgt.f32 v11, v2;
	v7 =	vadd.f32 v57, v7  }
0xa8: {  	vm3 =	vgt.f32 v6, v2;
	v12 =	vadd.s32 v58, v12;
	v11 =	vnsel vm15, $0x0, v11  }
0xa9: {  	vm12 =	vgt.f32 v10, v2;
	v12 =	vadd.s32 v59, v12;
	v7 =	vadd.f32 v11, v7  }
0xaa: {  	vm4 =	vgt.f32 v9, v2;
	v10 =	vnsel vm12, $0x0, v10;
	v11 =	vadd.s32 v60, v12  }
0xab: {  	vm5 =	vgt.f32 v8, v2;
	v11 =	vadd.s32 v61, v11;
	v7 =	vadd.f32 v10, v7  }
0xac: {  	v8 =	vnsel vm5, $0x0, v8;
	v10 =	vadd.s32 v62, v11;
	v11 =	vsel vm14, $0x1, v1  }
0xad: {  	v10 =	vadd.s32 v11, v10;
	v11 =	vsel vm6, $0x1, v1;
	v63 =	vadd.f32 v8, v7  }
0xae: {  	v9 =	vnsel vm4, $0x0, v9;
	v7 =	vadd.s32 v11, v10;
	v8 =	vsel vm15, $0x1, v1  }
0xaf: {  	s12 =	simm.s32 $0x100;
	s11 =	simm.s32 $0x800;
	v7 =	vadd.s32 v8, v7;
	v8 =	vsel vm12, $0x1, v1;
	v9 =	vadd.f32 v9, v63  }
.LBB2_9:
0xb0: {  	p0 =	sne.s32 s11, $0x3C00;
	v10 =	vld [tilespmem:s12+$0x0];
	v7 =	vadd.s32 v8, v7;
	v8 =	vsel vm5, $0x1, v1;
	v6 =	vnsel vm3, $0x0, v6  }
0xb1: {  	v7 =	vadd.s32 v8, v7;
	v8 =	vsel vm4, $0x1, v1;
	v6 =	vadd.f32 v6, v9  }
0xb2: {  	v5 =	vnsel vm2, $0x0, v5;
	v9 =	vld [tilespmem:s12+$0x10];
	v7 =	vadd.s32 v8, v7;
	v8 =	vsel vm3, $0x1, v1  }
0xb3: {  	v11 =	vld [tilespmem:s12+$0xF0];
	v7 =	vadd.s32 v8, v7;
	v8 =	vsel vm2, $0x1, v1;
	v6 =	vadd.f32 v5, v6  }
0xb4: {  	v4 =	vnsel vm1, $0x0, v4;
	v12 =	vld [tilespmem:s12+$0x20];
	v7 =	vadd.s32 v8, v7;
	v8 =	vsel vm1, $0x1, v1  }
0xb5: {  	vm6 =	vgt.f32 v10, v2;
	v5 =	vld [tilespmem:s12+$0xE0];
	v7 =	vadd.s32 v8, v7;
	v14 =	vadd.f32 v4, v6  }
0xb6: {  	v6 =	vnsel vm6, $0x0, v10;
	v8 =	vld [tilespmem:s12+$0x30]  }
0xb7: {  	v10 =	vadd.f32 v6, v14;
	vm7 =	vgt.f32 v9, v2;
	v6 =	vld [tilespmem:s12+$0xD0]  }
0xb8: {  	v9 =	vnsel vm7, $0x0, v9;
	v13 =	vld [tilespmem:s12+$0x40];
	v4 =	vmov v11  }
0xb9: {  	v9 =	vadd.f32 v9, v10;
	vm8 =	vgt.f32 v12, v2;
	v10 =	vld [tilespmem:s12+$0xC0]  }
0xba: {  	v11 =	vnsel vm8, $0x0, v12;
	v12 =	vld [tilespmem:s12+$0x50]  }
0xbb: {  	v9 =	vadd.f32 v11, v9;
	vm9 =	vgt.f32 v8, v2;
	v11 =	vld [tilespmem:s12+$0xB0]  }
0xbc: {  	v8 =	vnsel vm9, $0x0, v8;
	v14 =	vld [tilespmem:s12+$0x60]  }
0xbd: {  	v8 =	vadd.f32 v8, v9;
	vm10 =	vgt.f32 v13, v2;
	v9 =	vld [tilespmem:s12+$0xA0]  }
0xbe: {  	v13 =	vnsel vm10, $0x0, v13;
	v15 =	vld [tilespmem:s12+$0x70]  }
0xbf: {  	v8 =	vadd.f32 v13, v8;
	vm12 =	vgt.f32 v12, v2;
	v13 =	vld [tilespmem:s12+$0x90]  }
0xc0: {  	vm1 =	vgt.f32 v4, v2;
	v12 =	vnsel vm12, $0x0, v12;
	v16 =	vld [tilespmem:s12+$0x80]  }
0xc1: {  	vm2 =	vgt.f32 v5, v2;
	v8 =	vadd.f32 v12, v8;
	vm13 =	vgt.f32 v14, v2  }
0xc2: {  	vm3 =	vgt.f32 v6, v2;
	vm4 =	vgt.f32 v10, v2;
	v12 =	vnsel vm13, $0x0, v14  }
0xc3: {  	vm5 =	vgt.f32 v11, v2;
	v8 =	vadd.f32 v12, v8;
	vm15 =	vgt.f32 v15, v2  }
0xc4: {  	vm11 =	vgt.f32 v9, v2;
	v12 =	vnsel vm15, $0x0, v15;
	vm14 =	vgt.f32 v13, v2  }
0xc5: {  	v14 =	vsel vm6, $0x1, v1;
	v8 =	vadd.f32 v12, v8;
	vm6 =	vgt.f32 v16, v2  }
0xc6: {  	v7 =	vadd.s32 v14, v7;
	v12 =	vsel vm7, $0x1, v1;
	v14 =	vnsel vm6, $0x0, v16  }
0xc7: {  	v7 =	vadd.s32 v12, v7;
	v12 =	vsel vm8, $0x1, v1;
	v8 =	vadd.f32 v14, v8  }
0xc8: {  	v13 =	vnsel vm14, $0x0, v13;
	v7 =	vadd.s32 v12, v7;
	v12 =	vsel vm9, $0x1, v1  }
0xc9: {  	v7 =	vadd.s32 v12, v7;
	v12 =	vsel vm10, $0x1, v1;
	v8 =	vadd.f32 v13, v8  }
0xca: {  	v9 =	vnsel vm11, $0x0, v9;
	v7 =	vadd.s32 v12, v7;
	v12 =	vsel vm12, $0x1, v1  }
.Ltmp4:
0xcb: {  	v7 =	vadd.s32 v12, v7;
	v12 =	vsel vm13, $0x1, v1;
	v8 =	vadd.f32 v9, v8;
	(pc) =	sbr.rel @p0 .LBB2_9-.Ltmp4, $4  }
0xcc: {  	v11 =	vnsel vm5, $0x0, v11;
	v7 =	vadd.s32 v12, v7;
	v9 =	vsel vm15, $0x1, v1  }
0xcd: {  	v7 =	vadd.s32 v9, v7;
	v9 =	vsel vm6, $0x1, v1;
	v11 =	vadd.f32 v11, v8  }
0xce: {  	v7 =	vadd.s32 v9, v7;
	v8 =	vsel vm14, $0x1, v1;
	v9 =	vnsel vm4, $0x0, v10  }
0xcf: {  	s12 =	sshra.s32 s11, $0x2;
	s11 =	sadd.s32 $0x400, s11;
	v7 =	vadd.s32 v8, v7;
	v8 =	vsel vm11, $0x1, v1;
	v9 =	vadd.f32 v9, v11  }
0xd0: {  	v10 =	vld [tilespmem:s12+$0x0]  }
0xd1: {  	v6 =	vnsel vm3, $0x0, v6;
	v59 =	vld [tilespmem:s12+$0x10]  }
0xd2: {  	v60 =	vld [tilespmem:s12+$0x20];
	v6 =	vadd.f32 v6, v9  }
0xd3: {  	v5 =	vnsel vm2, $0x0, v5;
	v11 =	vld [tilespmem:s12+$0xF0]  }
0xd4: {  	v63 =	vld [tilespmem:s12+$0x30];
	v5 =	vadd.f32 v5, v6  }
0xd5: {  	v4 =	vnsel vm1, $0x0, v4;
	v12 =	vld [tilespmem:s12+$0xE0]  }
0xd6: {  	v18 =	vld [tilespmem:s12+$0x40];
	vm6 =	vgt.f32 v10, v2;
	v4 =	vadd.f32 v4, v5  }
0xd7: {  	v13 =	vld [tilespmem:s12+$0xD0];
	v62 =	vnsel vm6, $0x0, v10  }
0xd8: {  	v16 =	vsel vm5, $0x1, v1;
	v20 =	vld [tilespmem:s12+$0x50];
	vm5 =	vgt.f32 v59, v2;
	v4 =	vadd.f32 v62, v4  }
0xd9: {  	v61 =	vadd.s32 v8, v7;
	v14 =	vld [tilespmem:s12+$0xC0];
	v17 =	vnsel vm5, $0x0, v59  }
0xda: {  	v19 =	vsel vm4, $0x1, v1;
	v23 =	vld [tilespmem:s12+$0x60];
	vm4 =	vgt.f32 v60, v2;
	v4 =	vadd.f32 v17, v4  }
0xdb: {  	v21 =	vsel vm3, $0x1, v1;
	v24 =	vsel vm2, $0x1, v1;
	v15 =	vld [tilespmem:s12+$0xB0];
	v6 =	vnsel vm4, $0x0, v60  }
0xdc: {  	v26 =	vld [tilespmem:s12+$0x70];
	v27 =	vsel vm1, $0x1, v1;
	vm8 =	vgt.f32 v63, v2;
	v4 =	vadd.f32 v6, v4  }
0xdd: {  	v28 =	vld [tilespmem:s12+$0x90];
	v5 =	vadd.s32 v16, v61;
	vm9 =	vgt.f32 v18, v2;
	v22 =	vnsel vm8, $0x0, v63  }
0xde: {  	v29 =	vld [tilespmem:s12+$0xA0];
	vm11 =	vgt.f32 v20, v2;
	vm1 =	vgt.f32 v11, v2;
	v4 =	vadd.f32 v22, v4  }
0xdf: {  	vm12 =	vgt.f32 v23, v2;
	vm2 =	vgt.f32 v12, v2;
	v25 =	vnsel vm9, $0x0, v18  }
0xe0: {  	vm7 =	vgt.f32 v14, v2;
	vm3 =	vgt.f32 v13, v2;
	v4 =	vadd.f32 v25, v4  }
0xe1: {  	v16 =	vld [tilespmem:s12+$0x80];
	vm13 =	vgt.f32 v26, v2;
	vm10 =	vgt.f32 v15, v2;
	v7 =	vnsel vm11, $0x0, v20  }
0xe2: {  	vm14 =	vgt.f32 v28, v2;
	v5 =	vadd.s32 v19, v5;
	v4 =	vadd.f32 v7, v4  }
0xe3: {  	vm15 =	vgt.f32 v29, v2;
	v30 =	vnsel vm12, $0x0, v23;
	v5 =	vadd.s32 v21, v5  }
0xe4: {  	v31 =	vnsel vm13, $0x0, v26;
	v5 =	vadd.s32 v24, v5;
	v4 =	vadd.f32 v30, v4  }
0xe5: {  	v32 =	vsel vm6, $0x1, v1;
	v33 =	vsel vm5, $0x1, v1;
	v5 =	vadd.s32 v27, v5  }
0xe6: {  	vm6 =	vgt.f32 v16, v2;
	v5 =	vadd.s32 v32, v5;
	v4 =	vadd.f32 v31, v4  }
0xe7: {  	v35 =	vsel vm4, $0x1, v1;
	v34 =	vnsel vm6, $0x0, v16;
	v5 =	vadd.s32 v33, v5  }
0xe8: {  	v36 =	vsel vm8, $0x1, v1;
	v5 =	vadd.s32 v35, v5;
	v4 =	vadd.f32 v34, v4  }
0xe9: {  	v37 =	vsel vm9, $0x1, v1;
	v6 =	vnsel vm14, $0x0, v28;
	v5 =	vadd.s32 v36, v5  }
0xea: {  	v38 =	vsel vm11, $0x1, v1;
	v5 =	vadd.s32 v37, v5;
	v4 =	vadd.f32 v6, v4  }
0xeb: {  	v39 =	vnsel vm15, $0x0, v29;
	v40 =	vsel vm12, $0x1, v1;
	v5 =	vadd.s32 v38, v5  }
0xec: {  	v41 =	vsel vm13, $0x1, v1;
	v5 =	vadd.s32 v40, v5;
	v4 =	vadd.f32 v39, v4  }
0xed: {  	v42 =	vnsel vm10, $0x0, v15;
	v43 =	vsel vm6, $0x1, v1;
	v5 =	vadd.s32 v41, v5  }
0xee: {  	v44 =	vsel vm14, $0x1, v1;
	v5 =	vadd.s32 v43, v5;
	v4 =	vadd.f32 v42, v4  }
0xef: {  	v45 =	vnsel vm7, $0x0, v14;
	v46 =	vsel vm15, $0x1, v1;
	v5 =	vadd.s32 v44, v5  }
0xf0: {  	v47 =	vsel vm10, $0x1, v1;
	v5 =	vadd.s32 v46, v5;
	v4 =	vadd.f32 v45, v4  }
0xf1: {  	v48 =	vnsel vm3, $0x0, v13;
	v49 =	vsel vm7, $0x1, v1;
	v5 =	vadd.s32 v47, v5  }
0xf2: {  	v50 =	vsel vm3, $0x1, v1;
	v5 =	vadd.s32 v49, v5;
	v4 =	vadd.f32 v48, v4  }
0xf3: {  	v51 =	vnsel vm2, $0x0, v12;
	v52 =	vsel vm2, $0x1, v1;
	v5 =	vadd.s32 v50, v5  }
0xf4: {  	v53 =	vsel vm1, $0x1, v1;
	v5 =	vadd.s32 v52, v5;
	v4 =	vadd.f32 v51, v4  }
0xf5: {  	v54 =	vnsel vm1, $0x0, v11;
	v5 =	vadd.s32 v53, v5  }
0xf6: {  	[tilespmem:$0x1180] =	vst v5;
	v4 =	vadd.f32 v54, v4  }
0xf7: {  	[tilespmem:$0x1190] =	vst v5  }
0xf8: {  	[tilespmem:$0x1100] =	vst v4  }
0xf9: {  	v55 =	vld [tilespmem:$0x1181];
	[tilespmem:$0x1110] =	vst v4  }
0xfa: {  	v56 =	vld [tilespmem:$0x1101];
	_ =	sdelay $0x3  }
0xfb: {  	v5 =	vadd.s32 v5, v55  }
0xfc: {  	[tilespmem:$0x1180] =	vst v5;
	v4 =	vadd.f32 v56, v4  }
0xfd: {  	[tilespmem:$0x1190] =	vst v5  }
0xfe: {  	v57 =	vld [tilespmem:$0x1182];
	[tilespmem:$0x1100] =	vst v4  }
0xff: {  	[tilespmem:$0x1110] =	vst v4  }
0x100: {  	v58 =	vld [tilespmem:$0x1102];
	_ =	sdelay $0x2  }
0x101: {  	v5 =	vadd.s32 v5, v57  }
0x102: {  	[tilespmem:$0x1180] =	vst v5  }
0x103: {  	[tilespmem:$0x1190] =	vst v5;
	v4 =	vadd.f32 v58, v4  }
0x104: {  	v59 =	vld [tilespmem:$0x1184]  }
0x105: {  	[tilespmem:$0x1100] =	vst v4  }
0x106: {  	[tilespmem:$0x1110] =	vst v4  }
0x107: {  	v60 =	vld [tilespmem:$0x1104];
	_ =	sdelay $0x1  }
0x108: {  	v5 =	vadd.s32 v5, v59  }
0x109: {  	[tilespmem:$0x1180] =	vst v5  }
0x10a: {  	[tilespmem:$0x1190] =	vst v5  }
0x10b: {  	v3 =	vadd.s32 $0x1, v3;
	v61 =	vld [tilespmem:$0x1188];
	v4 =	vadd.f32 v60, v4  }
0x10c: {  	v62 =	vcvt.s32.f32 v3  }
0x10d: {  	[tilespmem:$0x1100] =	vst v4  }
0x10e: {  	(erf) = vrcp.f32 v62;
	[tilespmem:$0x1110] =	vst v4  }
0x10f: {  	v63 =	vld [tilespmem:$0x1108]  }
0x110: {  	v5 =	vadd.s32 v61, v5  }
0x111: {  	v3 =	vsub.s32 v3, v5  }
0x112: {  	v3 =	vcvt.s32.f32 v3;
	_ =	sdelay $0x1  }
0x113: {  	v2 =	vmul.f32 v3, v2;
	v4 =	vadd.f32 v63, v4;
	_ =	sdelay $0x1  }
0x114: {  	v2 =	vadd.f32 v4, v2  }
0x115: {  	v3 =	vpop (erf)  }
0x116: {  	s10 =	sadd.s32 $0x1, s10;
	v2 =	vmul.f32 v2, v3  }
0x117: {  	p0 =	sne.s32 s10, s6  }
.Ltmp5:
0x118: {  	[tilespmem:$0x1080] =	vst v2;
	(pc) =	sbr.rel @p0 .LBB2_2-.Ltmp5, $4  }
0x119: {  	[hbm4b:s4+s3] =	stream.linear.scatter [tilespmem:s9], [sflag:$0x1], $0x80, $0x38;
	[tilespmem:$0x1200] =	vst v63  }
0x11a: {  	_ =	swait.ge [sflag:s7], $0x80  }
0x11b: {  	[sflag:s7] =	ssyncset.done $0x0  }
0x11c: {  	[sflag:s7] =	ssyncadd.s32 $0xFFFFFF80  }
.LBB2_11:
0x11d: {  	_ =	sfence.sel $0x180000  }
0x11e: {  	[bflag:$0x0] =	sbarrier.arrive $0xFFFF  }
0x11f: {  	p0 =	sne.s32 s1, $0x0;
	_ =	strace $0x90000047  }
0x120: {  	s0 =	sadd.s32 @!p0 $0x100000, s0;
	[bflag:$0x2] =	sbarrier.arrive $0xFFFF  }
0x121: {  	[sflag:s0] =	ssyncadd.tile.s32 @!p0 $0x1;
	_ =	shalt  }
.Lfunc_end2:
_tile_overlayer_lowered:
.L_overlay_start_2:
0x122: {  	(tag) =	ssettag $0x2  }
0x123: {  	s0 =	rddreg [dreg:$0x0];
	s2 =	stileid.u32  }
0x124: {  	s1 =	rddreg [dreg:$0x1];
	p0 =	sne.s32 s2, $0x0  }
0x125: {  	s3 =	rddreg [dreg:$0x2];
	[bflag:$0x3] =	sbarrier.arrive $0xFFFF;
	s2 =	simm.s32 @!p0 $0x1C01  }
0x126: {  	[timem:s3], [sflag:s2] =	dma.local @!p0 [hbm:s0], s1  }
0x127: {  	s0 =	simm.s32 @!p0 $0x1  }
0x128: {  	_ =	swait.ge @!p0 [sflag:s0], s1  }
0x129: {  	s1 =	ssub.s32 @!p0 $0x0, s1;
	[sflag:s0] =	ssyncset.done @!p0 $0x0  }
0x12a: {  	[sflag:s0] =	ssyncadd.s32 @!p0 s1  }
0x12b: {  	[bflag:$0x3] =	sbarrier.arrive $0xFFFF  }
0x12c: {  	_ =	shalt  }

</sc_bundles>
